<compile_context>
chip_gen: v7x
topology: tpu7x:2x2x1
jax: 0.10.2.dev20260603
libtpu: 0.0.44.dev20260713+nightly
codegen_flags: <defaults>
</compile_context>

<pallas_src>
import functools
import jax
import jax.numpy as jnp
from jax import lax
from jax.experimental import pallas as pl
from jax.experimental.pallas import tpu as pltpu
from jax.experimental.pallas import tpu_sc as plsc

_NBUF = 4


def kernel(x, pos_emb):
    seq_len = x.shape[1]
    d_model = pos_emb.shape[1]
    info = plsc.get_sparse_core_info()
    nc = info.num_cores
    rows_per_c = seq_len // nc
    chunk = 256
    nchunks = rows_per_c // chunk
    mesh = plsc.VectorSubcoreMesh(core_axis_name="c", subcore_axis_name="s")

    @functools.partial(
        pl.kernel,
        mesh=mesh,
        out_type=jax.ShapeDtypeStruct((seq_len, d_model), jnp.float32),
        scratch_types=[
            pltpu.VMEM_SHARED((_NBUF, chunk, d_model), jnp.float32),
            pltpu.SemaphoreType.DMA((_NBUF,)),
            pltpu.SemaphoreType.DMA((_NBUF,)),
        ],
    )
    def sc_copy(table_hbm, out_hbm, buf, in_sems, out_sems):
        cid = lax.axis_index("c")
        sid = lax.axis_index("s")
        base = cid * rows_per_c

        def in_copy(j):
            return pltpu.make_async_copy(
                table_hbm.at[pl.ds(base + j * chunk, chunk), :],
                buf.at[j % _NBUF],
                in_sems.at[j % _NBUF],
            )

        def out_copy(j):
            return pltpu.make_async_copy(
                buf.at[j % _NBUF],
                out_hbm.at[pl.ds(base + j * chunk, chunk), :],
                out_sems.at[j % _NBUF],
            )

        @pl.when(sid == 0)
        def _():
            for j in range(_NBUF):
                in_copy(j).start()
            for j in range(nchunks):
                in_copy(j).wait()
                out_copy(j).start()
                if j + _NBUF < nchunks:
                    out_copy(j).wait()
                    in_copy(j + _NBUF).start()
            for j in range(nchunks - _NBUF, nchunks):
                out_copy(j).wait()

    return sc_copy(pos_emb)

# --- scband reference (transcript-rebuilt; emitter-appended) ---
"""Pipeline reference for scband-learned-positional-embedding-77962246357501 (READ-ONLY COPY).

The authoritative reference and input builder live on the scoring server;
editing this copy changes nothing except your own understanding.
"""

import jax, jax.numpy as jnp
import numpy as np

MAX_SEQ_LEN = 8192
D_MODEL = 1024

def setup_inputs(seed: int = 0) -> dict:
    key = jax.random.key(seed)
    k1, k2 = jax.random.split(key)
    x = jax.random.randint(k1, (4, 8192), 0, 50257, dtype=jnp.int64 if jax.config.jax_enable_x64 else jnp.int32)
    pos_emb = jax.random.normal(k2, (MAX_SEQ_LEN, D_MODEL), dtype=jnp.float32) * 0.02
    return {"x": x, "pos_emb": pos_emb}

def reference(x, pos_emb):
    # Faithful translation of LearnedPositionalEmbedding.forward
    seq_len = x.shape[1]
    positions = jnp.arange(seq_len)
    return jnp.take(pos_emb, positions, axis=0)

if __name__ == "__main__":
    import jax
    _d = setup_inputs()
    print(jax.jit(kernel)(*tuple(_d.values())))

</pallas_src>

<mosaic_0001>
#map = affine_map<(d0, d1) -> (0, 0)>
module attributes {stable_mosaic.version = 14 : i64} {
  func.func @sc_copy(%arg0: i32, %arg1: i32, %arg2: memref<8192x1024xf32, #tpu.memory_space<hbm>>, %arg3: memref<8192x1024xf32, #tpu.memory_space<hbm>>, %arg4: memref<4x256x1024xf32, #tpu.memory_space<vmem_shared>>, %arg5: memref<4x!tpu.dma_semaphore, #tpu.memory_space<semaphore_mem>>, %arg6: memref<4x!tpu.dma_semaphore, #tpu.memory_space<semaphore_mem>>) attributes {dimension_semantics = [#tpu.dimension_semantics<core_parallel>, #tpu.dimension_semantics<subcore_parallel>], iteration_bounds = array<i64: 2, 16>, scalar_prefetch = 0 : i64, scratch_operands = 3 : i64, tpu.core_type = #tpu.core_type<sc_vector_subcore>, window_params = [{transform_indices = #map}, {transform_indices = #map}]} {
    %mul3A = arith.constant 4096 : i32
    %mul3A_0 = arith.muli %arg0, %mul3A : i32
    %eq3A = arith.constant 0 : i32
    %eq3A_1 = arith.cmpi eq, %arg1, %eq3A : i32
    %convert_element_type3A = arith.extui %eq3A_1 : i1 to i32
    %cond3A = arith.constant 0 : i32
    %cond3A_2 = arith.cmpi ne, %convert_element_type3A, %cond3A : i32
    scf.if %cond3A_2 {
      %add3A = arith.constant 0 : i32
      %add3A_3 = arith.addi %mul3A_0, %add3A : i32
      %dma_start3A = arith.constant 0 : i32
      %dma_start3A_4 = arith.constant 0 : i32
      %dma_start3A_5 = tpu.memref_slice %arg5[%dma_start3A_4] : memref<4x!tpu.dma_semaphore, #tpu.memory_space<semaphore_mem>> -> memref<1x!tpu.dma_semaphore, #tpu.memory_space<semaphore_mem>>
      %dma_start3A_6 = tpu.memref_squeeze %dma_start3A_5 : memref<1x!tpu.dma_semaphore, #tpu.memory_space<semaphore_mem>> -> memref<!tpu.dma_semaphore, #tpu.memory_space<semaphore_mem>>
      %dma_start3A_7 = arith.constant 0 : i32
      %dma_start3A_8 = arith.constant 0 : i32
      %dma_start3A_9 = tpu.memref_slice %arg4[%dma_start3A, %dma_start3A_7, %dma_start3A_8] : memref<4x256x1024xf32, #tpu.memory_space<vmem_shared>> -> memref<1x256x1024xf32, #tpu.memory_space<vmem_shared>>
      %dma_start3A_10 = tpu.memref_squeeze %dma_start3A_9 : memref<1x256x1024xf32, #tpu.memory_space<vmem_shared>> -> memref<256x1024xf32, #tpu.memory_space<vmem_shared>>
      %dma_start3A_11 = arith.constant 0 : i32
      %dma_start3A_12 = tpu.memref_slice %arg2[%add3A_3, %dma_start3A_11] : memref<8192x1024xf32, #tpu.memory_space<hbm>> -> memref<256x1024xf32, #tpu.memory_space<hbm>>
      tpu.enqueue_dma source(%dma_start3A_12 : memref<256x1024xf32, #tpu.memory_space<hbm>>) target(%dma_start3A_10 : memref<256x1024xf32, #tpu.memory_space<vmem_shared>>) target_semaphore(%dma_start3A_6 : memref<!tpu.dma_semaphore, #tpu.memory_space<semaphore_mem>>)
      %add3A_13 = arith.constant 256 : i32
      %add3A_14 = arith.addi %mul3A_0, %add3A_13 : i32
      %dma_start3A_15 = arith.constant 1 : i32
      %dma_start3A_16 = arith.constant 1 : i32
      %dma_start3A_17 = tpu.memref_slice %arg5[%dma_start3A_16] : memref<4x!tpu.dma_semaphore, #tpu.memory_space<semaphore_mem>> -> memref<1x!tpu.dma_semaphore, #tpu.memory_space<semaphore_mem>>
      %dma_start3A_18 = tpu.memref_squeeze %dma_start3A_17 : memref<1x!tpu.dma_semaphore, #tpu.memory_space<semaphore_mem>> -> memref<!tpu.dma_semaphore, #tpu.memory_space<semaphore_mem>>
      %dma_start3A_19 = arith.constant 0 : i32
      %dma_start3A_20 = arith.constant 0 : i32
      %dma_start3A_21 = tpu.memref_slice %arg4[%dma_start3A_15, %dma_start3A_19, %dma_start3A_20] : memref<4x256x1024xf32, #tpu.memory_space<vmem_shared>> -> memref<1x256x1024xf32, #tpu.memory_space<vmem_shared>>
      %dma_start3A_22 = tpu.memref_squeeze %dma_start3A_21 : memref<1x256x1024xf32, #tpu.memory_space<vmem_shared>> -> memref<256x1024xf32, #tpu.memory_space<vmem_shared>>
      %dma_start3A_23 = arith.constant 0 : i32
      %dma_start3A_24 = tpu.memref_slice %arg2[%add3A_14, %dma_start3A_23] : memref<8192x1024xf32, #tpu.memory_space<hbm>> -> memref<256x1024xf32, #tpu.memory_space<hbm>>
      tpu.enqueue_dma source(%dma_start3A_24 : memref<256x1024xf32, #tpu.memory_space<hbm>>) target(%dma_start3A_22 : memref<256x1024xf32, #tpu.memory_space<vmem_shared>>) target_semaphore(%dma_start3A_18 : memref<!tpu.dma_semaphore, #tpu.memory_space<semaphore_mem>>)
      %add3A_25 = arith.constant 512 : i32
      %add3A_26 = arith.addi %mul3A_0, %add3A_25 : i32
      %dma_start3A_27 = arith.constant 2 : i32
      %dma_start3A_28 = arith.constant 2 : i32
      %dma_start3A_29 = tpu.memref_slice %arg5[%dma_start3A_28] : memref<4x!tpu.dma_semaphore, #tpu.memory_space<semaphore_mem>> -> memref<1x!tpu.dma_semaphore, #tpu.memory_space<semaphore_mem>>
      %dma_start3A_30 = tpu.memref_squeeze %dma_start3A_29 : memref<1x!tpu.dma_semaphore, #tpu.memory_space<semaphore_mem>> -> memref<!tpu.dma_semaphore, #tpu.memory_space<semaphore_mem>>
      %dma_start3A_31 = arith.constant 0 : i32
      %dma_start3A_32 = arith.constant 0 : i32
      %dma_start3A_33 = tpu.memref_slice %arg4[%dma_start3A_27, %dma_start3A_31, %dma_start3A_32] : memref<4x256x1024xf32, #tpu.memory_space<vmem_shared>> -> memref<1x256x1024xf32, #tpu.memory_space<vmem_shared>>
      %dma_start3A_34 = tpu.memref_squeeze %dma_start3A_33 : memref<1x256x1024xf32, #tpu.memory_space<vmem_shared>> -> memref<256x1024xf32, #tpu.memory_space<vmem_shared>>
      %dma_start3A_35 = arith.constant 0 : i32
      %dma_start3A_36 = tpu.memref_slice %arg2[%add3A_26, %dma_start3A_35] : memref<8192x1024xf32, #tpu.memory_space<hbm>> -> memref<256x1024xf32, #tpu.memory_space<hbm>>
      tpu.enqueue_dma source(%dma_start3A_36 : memref<256x1024xf32, #tpu.memory_space<hbm>>) target(%dma_start3A_34 : memref<256x1024xf32, #tpu.memory_space<vmem_shared>>) target_semaphore(%dma_start3A_30 : memref<!tpu.dma_semaphore, #tpu.memory_space<semaphore_mem>>)
      %add3A_37 = arith.constant 768 : i32
      %add3A_38 = arith.addi %mul3A_0, %add3A_37 : i32
      %dma_start3A_39 = arith.constant 3 : i32
      %dma_start3A_40 = arith.constant 3 : i32
      %dma_start3A_41 = tpu.memref_slice %arg5[%dma_start3A_40] : memref<4x!tpu.dma_semaphore, #tpu.memory_space<semaphore_mem>> -> memref<1x!tpu.dma_semaphore, #tpu.memory_space<semaphore_mem>>
      %dma_start3A_42 = tpu.memref_squeeze %dma_start3A_41 : memref<1x!tpu.dma_semaphore, #tpu.memory_space<semaphore_mem>> -> memref<!tpu.dma_semaphore, #tpu.memory_space<semaphore_mem>>
      %dma_start3A_43 = arith.constant 0 : i32
      %dma_start3A_44 = arith.constant 0 : i32
      %dma_start3A_45 = tpu.memref_slice %arg4[%dma_start3A_39, %dma_start3A_43, %dma_start3A_44] : memref<4x256x1024xf32, #tpu.memory_space<vmem_shared>> -> memref<1x256x1024xf32, #tpu.memory_space<vmem_shared>>
      %dma_start3A_46 = tpu.memref_squeeze %dma_start3A_45 : memref<1x256x1024xf32, #tpu.memory_space<vmem_shared>> -> memref<256x1024xf32, #tpu.memory_space<vmem_shared>>
      %dma_start3A_47 = arith.constant 0 : i32
      %dma_start3A_48 = tpu.memref_slice %arg2[%add3A_38, %dma_start3A_47] : memref<8192x1024xf32, #tpu.memory_space<hbm>> -> memref<256x1024xf32, #tpu.memory_space<hbm>>
      tpu.enqueue_dma source(%dma_start3A_48 : memref<256x1024xf32, #tpu.memory_space<hbm>>) target(%dma_start3A_46 : memref<256x1024xf32, #tpu.memory_space<vmem_shared>>) target_semaphore(%dma_start3A_42 : memref<!tpu.dma_semaphore, #tpu.memory_space<semaphore_mem>>)
      %add3A_49 = arith.constant 0 : i32
      %add3A_50 = arith.addi %mul3A_0, %add3A_49 : i32
      %dma_wait3A = arith.constant 0 : i32
      %dma_wait3A_51 = arith.constant 0 : i32
      %dma_wait3A_52 = tpu.memref_slice %arg5[%dma_wait3A_51] : memref<4x!tpu.dma_semaphore, #tpu.memory_space<semaphore_mem>> -> memref<1x!tpu.dma_semaphore, #tpu.memory_space<semaphore_mem>>
      %dma_wait3A_53 = tpu.memref_squeeze %dma_wait3A_52 : memref<1x!tpu.dma_semaphore, #tpu.memory_space<semaphore_mem>> -> memref<!tpu.dma_semaphore, #tpu.memory_space<semaphore_mem>>
      %dma_wait3A_54 = arith.constant 0 : i32
      %dma_wait3A_55 = arith.constant 0 : i32
      %dma_wait3A_56 = tpu.memref_slice %arg4[%dma_wait3A, %dma_wait3A_54, %dma_wait3A_55] : memref<4x256x1024xf32, #tpu.memory_space<vmem_shared>> -> memref<1x256x1024xf32, #tpu.memory_space<vmem_shared>>
      %dma_wait3A_57 = tpu.memref_squeeze %dma_wait3A_56 : memref<1x256x1024xf32, #tpu.memory_space<vmem_shared>> -> memref<256x1024xf32, #tpu.memory_space<vmem_shared>>
      %dma_wait3A_58 = arith.constant 0 : i32
      %dma_wait3A_59 = tpu.memref_slice %arg2[%add3A_50, %dma_wait3A_58] : memref<8192x1024xf32, #tpu.memory_space<hbm>> -> memref<256x1024xf32, #tpu.memory_space<hbm>>
      tpu.wait_dma2 semaphore(%dma_wait3A_53 : memref<!tpu.dma_semaphore, #tpu.memory_space<semaphore_mem>>) src(%dma_wait3A_59 : memref<256x1024xf32, #tpu.memory_space<hbm>>) dst(%dma_wait3A_57 : memref<256x1024xf32, #tpu.memory_space<vmem_shared>>)
      %add3A_60 = arith.constant 0 : i32
      %add3A_61 = arith.addi %mul3A_0, %add3A_60 : i32
      %dma_start3A_62 = arith.constant 0 : i32
      %dma_start3A_63 = arith.constant 0 : i32
      %dma_start3A_64 = tpu.memref_slice %arg6[%dma_start3A_63] : memref<4x!tpu.dma_semaphore, #tpu.memory_space<semaphore_mem>> -> memref<1x!tpu.dma_semaphore, #tpu.memory_space<semaphore_mem>>
      %dma_start3A_65 = tpu.memref_squeeze %dma_start3A_64 : memref<1x!tpu.dma_semaphore, #tpu.memory_space<semaphore_mem>> -> memref<!tpu.dma_semaphore, #tpu.memory_space<semaphore_mem>>
      %dma_start3A_66 = arith.constant 0 : i32
      %dma_start3A_67 = tpu.memref_slice %arg3[%add3A_61, %dma_start3A_66] : memref<8192x1024xf32, #tpu.memory_space<hbm>> -> memref<256x1024xf32, #tpu.memory_space<hbm>>
      %dma_start3A_68 = arith.constant 0 : i32
      %dma_start3A_69 = arith.constant 0 : i32
      %dma_start3A_70 = tpu.memref_slice %arg4[%dma_start3A_62, %dma_start3A_68, %dma_start3A_69] : memref<4x256x1024xf32, #tpu.memory_space<vmem_shared>> -> memref<1x256x1024xf32, #tpu.memory_space<vmem_shared>>
      %dma_start3A_71 = tpu.memref_squeeze %dma_start3A_70 : memref<1x256x1024xf32, #tpu.memory_space<vmem_shared>> -> memref<256x1024xf32, #tpu.memory_space<vmem_shared>>
      tpu.enqueue_dma source(%dma_start3A_71 : memref<256x1024xf32, #tpu.memory_space<vmem_shared>>) target(%dma_start3A_67 : memref<256x1024xf32, #tpu.memory_space<hbm>>) target_semaphore(%dma_start3A_65 : memref<!tpu.dma_semaphore, #tpu.memory_space<semaphore_mem>>)
      %add3A_72 = arith.constant 0 : i32
      %add3A_73 = arith.addi %mul3A_0, %add3A_72 : i32
      %dma_wait3A_74 = arith.constant 0 : i32
      %dma_wait3A_75 = arith.constant 0 : i32
      %dma_wait3A_76 = tpu.memref_slice %arg6[%dma_wait3A_75] : memref<4x!tpu.dma_semaphore, #tpu.memory_space<semaphore_mem>> -> memref<1x!tpu.dma_semaphore, #tpu.memory_space<semaphore_mem>>
      %dma_wait3A_77 = tpu.memref_squeeze %dma_wait3A_76 : memref<1x!tpu.dma_semaphore, #tpu.memory_space<semaphore_mem>> -> memref<!tpu.dma_semaphore, #tpu.memory_space<semaphore_mem>>
      %dma_wait3A_78 = arith.constant 0 : i32
      %dma_wait3A_79 = tpu.memref_slice %arg3[%add3A_73, %dma_wait3A_78] : memref<8192x1024xf32, #tpu.memory_space<hbm>> -> memref<256x1024xf32, #tpu.memory_space<hbm>>
      %dma_wait3A_80 = arith.constant 0 : i32
      %dma_wait3A_81 = arith.constant 0 : i32
      %dma_wait3A_82 = tpu.memref_slice %arg4[%dma_wait3A_74, %dma_wait3A_80, %dma_wait3A_81] : memref<4x256x1024xf32, #tpu.memory_space<vmem_shared>> -> memref<1x256x1024xf32, #tpu.memory_space<vmem_shared>>
      %dma_wait3A_83 = tpu.memref_squeeze %dma_wait3A_82 : memref<1x256x1024xf32, #tpu.memory_space<vmem_shared>> -> memref<256x1024xf32, #tpu.memory_space<vmem_shared>>
      tpu.wait_dma2 semaphore(%dma_wait3A_77 : memref<!tpu.dma_semaphore, #tpu.memory_space<semaphore_mem>>) src(%dma_wait3A_83 : memref<256x1024xf32, #tpu.memory_space<vmem_shared>>) dst(%dma_wait3A_79 : memref<256x1024xf32, #tpu.memory_space<hbm>>)
      %add3A_84 = arith.constant 1024 : i32
      %add3A_85 = arith.addi %mul3A_0, %add3A_84 : i32
      %dma_start3A_86 = arith.constant 0 : i32
      %dma_start3A_87 = arith.constant 0 : i32
      %dma_start3A_88 = tpu.memref_slice %arg5[%dma_start3A_87] : memref<4x!tpu.dma_semaphore, #tpu.memory_space<semaphore_mem>> -> memref<1x!tpu.dma_semaphore, #tpu.memory_space<semaphore_mem>>
      %dma_start3A_89 = tpu.memref_squeeze %dma_start3A_88 : memref<1x!tpu.dma_semaphore, #tpu.memory_space<semaphore_mem>> -> memref<!tpu.dma_semaphore, #tpu.memory_space<semaphore_mem>>
      %dma_start3A_90 = arith.constant 0 : i32
      %dma_start3A_91 = arith.constant 0 : i32
      %dma_start3A_92 = tpu.memref_slice %arg4[%dma_start3A_86, %dma_start3A_90, %dma_start3A_91] : memref<4x256x1024xf32, #tpu.memory_space<vmem_shared>> -> memref<1x256x1024xf32, #tpu.memory_space<vmem_shared>>
      %dma_start3A_93 = tpu.memref_squeeze %dma_start3A_92 : memref<1x256x1024xf32, #tpu.memory_space<vmem_shared>> -> memref<256x1024xf32, #tpu.memory_space<vmem_shared>>
      %dma_start3A_94 = arith.constant 0 : i32
      %dma_start3A_95 = tpu.memref_slice %arg2[%add3A_85, %dma_start3A_94] : memref<8192x1024xf32, #tpu.memory_space<hbm>> -> memref<256x1024xf32, #tpu.memory_space<hbm>>
      tpu.enqueue_dma source(%dma_start3A_95 : memref<256x1024xf32, #tpu.memory_space<hbm>>) target(%dma_start3A_93 : memref<256x1024xf32, #tpu.memory_space<vmem_shared>>) target_semaphore(%dma_start3A_89 : memref<!tpu.dma_semaphore, #tpu.memory_space<semaphore_mem>>)
      %add3A_96 = arith.constant 256 : i32
      %add3A_97 = arith.addi %mul3A_0, %add3A_96 : i32
      %dma_wait3A_98 = arith.constant 1 : i32
      %dma_wait3A_99 = arith.constant 1 : i32
      %dma_wait3A_100 = tpu.memref_slice %arg5[%dma_wait3A_99] : memref<4x!tpu.dma_semaphore, #tpu.memory_space<semaphore_mem>> -> memref<1x!tpu.dma_semaphore, #tpu.memory_space<semaphore_mem>>
      %dma_wait3A_101 = tpu.memref_squeeze %dma_wait3A_100 : memref<1x!tpu.dma_semaphore, #tpu.memory_space<semaphore_mem>> -> memref<!tpu.dma_semaphore, #tpu.memory_space<semaphore_mem>>
      %dma_wait3A_102 = arith.constant 0 : i32
      %dma_wait3A_103 = arith.constant 0 : i32
      %dma_wait3A_104 = tpu.memref_slice %arg4[%dma_wait3A_98, %dma_wait3A_102, %dma_wait3A_103] : memref<4x256x1024xf32, #tpu.memory_space<vmem_shared>> -> memref<1x256x1024xf32, #tpu.memory_space<vmem_shared>>
      %dma_wait3A_105 = tpu.memref_squeeze %dma_wait3A_104 : memref<1x256x1024xf32, #tpu.memory_space<vmem_shared>> -> memref<256x1024xf32, #tpu.memory_space<vmem_shared>>
      %dma_wait3A_106 = arith.constant 0 : i32
      %dma_wait3A_107 = tpu.memref_slice %arg2[%add3A_97, %dma_wait3A_106] : memref<8192x1024xf32, #tpu.memory_space<hbm>> -> memref<256x1024xf32, #tpu.memory_space<hbm>>
      tpu.wait_dma2 semaphore(%dma_wait3A_101 : memref<!tpu.dma_semaphore, #tpu.memory_space<semaphore_mem>>) src(%dma_wait3A_107 : memref<256x1024xf32, #tpu.memory_space<hbm>>) dst(%dma_wait3A_105 : memref<256x1024xf32, #tpu.memory_space<vmem_shared>>)
      %add3A_108 = arith.constant 256 : i32
      %add3A_109 = arith.addi %mul3A_0, %add3A_108 : i32
      %dma_start3A_110 = arith.constant 1 : i32
      %dma_start3A_111 = arith.constant 1 : i32
      %dma_start3A_112 = tpu.memref_slice %arg6[%dma_start3A_111] : memref<4x!tpu.dma_semaphore, #tpu.memory_space<semaphore_mem>> -> memref<1x!tpu.dma_semaphore, #tpu.memory_space<semaphore_mem>>
      %dma_start3A_113 = tpu.memref_squeeze %dma_start3A_112 : memref<1x!tpu.dma_semaphore, #tpu.memory_space<semaphore_mem>> -> memref<!tpu.dma_semaphore, #tpu.memory_space<semaphore_mem>>
      %dma_start3A_114 = arith.constant 0 : i32
      %dma_start3A_115 = tpu.memref_slice %arg3[%add3A_109, %dma_start3A_114] : memref<8192x1024xf32, #tpu.memory_space<hbm>> -> memref<256x1024xf32, #tpu.memory_space<hbm>>
      %dma_start3A_116 = arith.constant 0 : i32
      %dma_start3A_117 = arith.constant 0 : i32
      %dma_start3A_118 = tpu.memref_slice %arg4[%dma_start3A_110, %dma_start3A_116, %dma_start3A_117] : memref<4x256x1024xf32, #tpu.memory_space<vmem_shared>> -> memref<1x256x1024xf32, #tpu.memory_space<vmem_shared>>
      %dma_start3A_119 = tpu.memref_squeeze %dma_start3A_118 : memref<1x256x1024xf32, #tpu.memory_space<vmem_shared>> -> memref<256x1024xf32, #tpu.memory_space<vmem_shared>>
      tpu.enqueue_dma source(%dma_start3A_119 : memref<256x1024xf32, #tpu.memory_space<vmem_shared>>) target(%dma_start3A_115 : memref<256x1024xf32, #tpu.memory_space<hbm>>) target_semaphore(%dma_start3A_113 : memref<!tpu.dma_semaphore, #tpu.memory_space<semaphore_mem>>)
      %add3A_120 = arith.constant 256 : i32
      %add3A_121 = arith.addi %mul3A_0, %add3A_120 : i32
      %dma_wait3A_122 = arith.constant 1 : i32
      %dma_wait3A_123 = arith.constant 1 : i32
      %dma_wait3A_124 = tpu.memref_slice %arg6[%dma_wait3A_123] : memref<4x!tpu.dma_semaphore, #tpu.memory_space<semaphore_mem>> -> memref<1x!tpu.dma_semaphore, #tpu.memory_space<semaphore_mem>>
      %dma_wait3A_125 = tpu.memref_squeeze %dma_wait3A_124 : memref<1x!tpu.dma_semaphore, #tpu.memory_space<semaphore_mem>> -> memref<!tpu.dma_semaphore, #tpu.memory_space<semaphore_mem>>
      %dma_wait3A_126 = arith.constant 0 : i32
      %dma_wait3A_127 = tpu.memref_slice %arg3[%add3A_121, %dma_wait3A_126] : memref<8192x1024xf32, #tpu.memory_space<hbm>> -> memref<256x1024xf32, #tpu.memory_space<hbm>>
      %dma_wait3A_128 = arith.constant 0 : i32
      %dma_wait3A_129 = arith.constant 0 : i32
      %dma_wait3A_130 = tpu.memref_slice %arg4[%dma_wait3A_122, %dma_wait3A_128, %dma_wait3A_129] : memref<4x256x1024xf32, #tpu.memory_space<vmem_shared>> -> memref<1x256x1024xf32, #tpu.memory_space<vmem_shared>>
      %dma_wait3A_131 = tpu.memref_squeeze %dma_wait3A_130 : memref<1x256x1024xf32, #tpu.memory_space<vmem_shared>> -> memref<256x1024xf32, #tpu.memory_space<vmem_shared>>
      tpu.wait_dma2 semaphore(%dma_wait3A_125 : memref<!tpu.dma_semaphore, #tpu.memory_space<semaphore_mem>>) src(%dma_wait3A_131 : memref<256x1024xf32, #tpu.memory_space<vmem_shared>>) dst(%dma_wait3A_127 : memref<256x1024xf32, #tpu.memory_space<hbm>>)
      %add3A_132 = arith.constant 1280 : i32
      %add3A_133 = arith.addi %mul3A_0, %add3A_132 : i32
      %dma_start3A_134 = arith.constant 1 : i32
      %dma_start3A_135 = arith.constant 1 : i32
      %dma_start3A_136 = tpu.memref_slice %arg5[%dma_start3A_135] : memref<4x!tpu.dma_semaphore, #tpu.memory_space<semaphore_mem>> -> memref<1x!tpu.dma_semaphore, #tpu.memory_space<semaphore_mem>>
      %dma_start3A_137 = tpu.memref_squeeze %dma_start3A_136 : memref<1x!tpu.dma_semaphore, #tpu.memory_space<semaphore_mem>> -> memref<!tpu.dma_semaphore, #tpu.memory_space<semaphore_mem>>
      %dma_start3A_138 = arith.constant 0 : i32
      %dma_start3A_139 = arith.constant 0 : i32
      %dma_start3A_140 = tpu.memref_slice %arg4[%dma_start3A_134, %dma_start3A_138, %dma_start3A_139] : memref<4x256x1024xf32, #tpu.memory_space<vmem_shared>> -> memref<1x256x1024xf32, #tpu.memory_space<vmem_shared>>
      %dma_start3A_141 = tpu.memref_squeeze %dma_start3A_140 : memref<1x256x1024xf32, #tpu.memory_space<vmem_shared>> -> memref<256x1024xf32, #tpu.memory_space<vmem_shared>>
      %dma_start3A_142 = arith.constant 0 : i32
      %dma_start3A_143 = tpu.memref_slice %arg2[%add3A_133, %dma_start3A_142] : memref<8192x1024xf32, #tpu.memory_space<hbm>> -> memref<256x1024xf32, #tpu.memory_space<hbm>>
      tpu.enqueue_dma source(%dma_start3A_143 : memref<256x1024xf32, #tpu.memory_space<hbm>>) target(%dma_start3A_141 : memref<256x1024xf32, #tpu.memory_space<vmem_shared>>) target_semaphore(%dma_start3A_137 : memref<!tpu.dma_semaphore, #tpu.memory_space<semaphore_mem>>)
      %add3A_144 = arith.constant 512 : i32
      %add3A_145 = arith.addi %mul3A_0, %add3A_144 : i32
      %dma_wait3A_146 = arith.constant 2 : i32
      %dma_wait3A_147 = arith.constant 2 : i32
      %dma_wait3A_148 = tpu.memref_slice %arg5[%dma_wait3A_147] : memref<4x!tpu.dma_semaphore, #tpu.memory_space<semaphore_mem>> -> memref<1x!tpu.dma_semaphore, #tpu.memory_space<semaphore_mem>>
      %dma_wait3A_149 = tpu.memref_squeeze %dma_wait3A_148 : memref<1x!tpu.dma_semaphore, #tpu.memory_space<semaphore_mem>> -> memref<!tpu.dma_semaphore, #tpu.memory_space<semaphore_mem>>
      %dma_wait3A_150 = arith.constant 0 : i32
      %dma_wait3A_151 = arith.constant 0 : i32
      %dma_wait3A_152 = tpu.memref_slice %arg4[%dma_wait3A_146, %dma_wait3A_150, %dma_wait3A_151] : memref<4x256x1024xf32, #tpu.memory_space<vmem_shared>> -> memref<1x256x1024xf32, #tpu.memory_space<vmem_shared>>
      %dma_wait3A_153 = tpu.memref_squeeze %dma_wait3A_152 : memref<1x256x1024xf32, #tpu.memory_space<vmem_shared>> -> memref<256x1024xf32, #tpu.memory_space<vmem_shared>>
      %dma_wait3A_154 = arith.constant 0 : i32
      %dma_wait3A_155 = tpu.memref_slice %arg2[%add3A_145, %dma_wait3A_154] : memref<8192x1024xf32, #tpu.memory_space<hbm>> -> memref<256x1024xf32, #tpu.memory_space<hbm>>
      tpu.wait_dma2 semaphore(%dma_wait3A_149 : memref<!tpu.dma_semaphore, #tpu.memory_space<semaphore_mem>>) src(%dma_wait3A_155 : memref<256x1024xf32, #tpu.memory_space<hbm>>) dst(%dma_wait3A_153 : memref<256x1024xf32, #tpu.memory_space<vmem_shared>>)
      %add3A_156 = arith.constant 512 : i32
      %add3A_157 = arith.addi %mul3A_0, %add3A_156 : i32
      %dma_start3A_158 = arith.constant 2 : i32
      %dma_start3A_159 = arith.constant 2 : i32
      %dma_start3A_160 = tpu.memref_slice %arg6[%dma_start3A_159] : memref<4x!tpu.dma_semaphore, #tpu.memory_space<semaphore_mem>> -> memref<1x!tpu.dma_semaphore, #tpu.memory_space<semaphore_mem>>
      %dma_start3A_161 = tpu.memref_squeeze %dma_start3A_160 : memref<1x!tpu.dma_semaphore, #tpu.memory_space<semaphore_mem>> -> memref<!tpu.dma_semaphore, #tpu.memory_space<semaphore_mem>>
      %dma_start3A_162 = arith.constant 0 : i32
      %dma_start3A_163 = tpu.memref_slice %arg3[%add3A_157, %dma_start3A_162] : memref<8192x1024xf32, #tpu.memory_space<hbm>> -> memref<256x1024xf32, #tpu.memory_space<hbm>>
      %dma_start3A_164 = arith.constant 0 : i32
      %dma_start3A_165 = arith.constant 0 : i32
      %dma_start3A_166 = tpu.memref_slice %arg4[%dma_start3A_158, %dma_start3A_164, %dma_start3A_165] : memref<4x256x1024xf32, #tpu.memory_space<vmem_shared>> -> memref<1x256x1024xf32, #tpu.memory_space<vmem_shared>>
      %dma_start3A_167 = tpu.memref_squeeze %dma_start3A_166 : memref<1x256x1024xf32, #tpu.memory_space<vmem_shared>> -> memref<256x1024xf32, #tpu.memory_space<vmem_shared>>
      tpu.enqueue_dma source(%dma_start3A_167 : memref<256x1024xf32, #tpu.memory_space<vmem_shared>>) target(%dma_start3A_163 : memref<256x1024xf32, #tpu.memory_space<hbm>>) target_semaphore(%dma_start3A_161 : memref<!tpu.dma_semaphore, #tpu.memory_space<semaphore_mem>>)
      %add3A_168 = arith.constant 512 : i32
      %add3A_169 = arith.addi %mul3A_0, %add3A_168 : i32
      %dma_wait3A_170 = arith.constant 2 : i32
      %dma_wait3A_171 = arith.constant 2 : i32
      %dma_wait3A_172 = tpu.memref_slice %arg6[%dma_wait3A_171] : memref<4x!tpu.dma_semaphore, #tpu.memory_space<semaphore_mem>> -> memref<1x!tpu.dma_semaphore, #tpu.memory_space<semaphore_mem>>
      %dma_wait3A_173 = tpu.memref_squeeze %dma_wait3A_172 : memref<1x!tpu.dma_semaphore, #tpu.memory_space<semaphore_mem>> -> memref<!tpu.dma_semaphore, #tpu.memory_space<semaphore_mem>>
      %dma_wait3A_174 = arith.constant 0 : i32
      %dma_wait3A_175 = tpu.memref_slice %arg3[%add3A_169, %dma_wait3A_174] : memref<8192x1024xf32, #tpu.memory_space<hbm>> -> memref<256x1024xf32, #tpu.memory_space<hbm>>
      %dma_wait3A_176 = arith.constant 0 : i32
      %dma_wait3A_177 = arith.constant 0 : i32
      %dma_wait3A_178 = tpu.memref_slice %arg4[%dma_wait3A_170, %dma_wait3A_176, %dma_wait3A_177] : memref<4x256x1024xf32, #tpu.memory_space<vmem_shared>> -> memref<1x256x1024xf32, #tpu.memory_space<vmem_shared>>
      %dma_wait3A_179 = tpu.memref_squeeze %dma_wait3A_178 : memref<1x256x1024xf32, #tpu.memory_space<vmem_shared>> -> memref<256x1024xf32, #tpu.memory_space<vmem_shared>>
      tpu.wait_dma2 semaphore(%dma_wait3A_173 : memref<!tpu.dma_semaphore, #tpu.memory_space<semaphore_mem>>) src(%dma_wait3A_179 : memref<256x1024xf32, #tpu.memory_space<vmem_shared>>) dst(%dma_wait3A_175 : memref<256x1024xf32, #tpu.memory_space<hbm>>)
      %add3A_180 = arith.constant 1536 : i32
      %add3A_181 = arith.addi %mul3A_0, %add3A_180 : i32
      %dma_start3A_182 = arith.constant 2 : i32
      %dma_start3A_183 = arith.constant 2 : i32
      %dma_start3A_184 = tpu.memref_slice %arg5[%dma_start3A_183] : memref<4x!tpu.dma_semaphore, #tpu.memory_space<semaphore_mem>> -> memref<1x!tpu.dma_semaphore, #tpu.memory_space<semaphore_mem>>
      %dma_start3A_185 = tpu.memref_squeeze %dma_start3A_184 : memref<1x!tpu.dma_semaphore, #tpu.memory_space<semaphore_mem>> -> memref<!tpu.dma_semaphore, #tpu.memory_space<semaphore_mem>>
      %dma_start3A_186 = arith.constant 0 : i32
      %dma_start3A_187 = arith.constant 0 : i32
      %dma_start3A_188 = tpu.memref_slice %arg4[%dma_start3A_182, %dma_start3A_186, %dma_start3A_187] : memref<4x256x1024xf32, #tpu.memory_space<vmem_shared>> -> memref<1x256x1024xf32, #tpu.memory_space<vmem_shared>>
      %dma_start3A_189 = tpu.memref_squeeze %dma_start3A_188 : memref<1x256x1024xf32, #tpu.memory_space<vmem_shared>> -> memref<256x1024xf32, #tpu.memory_space<vmem_shared>>
      %dma_start3A_190 = arith.constant 0 : i32
      %dma_start3A_191 = tpu.memref_slice %arg2[%add3A_181, %dma_start3A_190] : memref<8192x1024xf32, #tpu.memory_space<hbm>> -> memref<256x1024xf32, #tpu.memory_space<hbm>>
      tpu.enqueue_dma source(%dma_start3A_191 : memref<256x1024xf32, #tpu.memory_space<hbm>>) target(%dma_start3A_189 : memref<256x1024xf32, #tpu.memory_space<vmem_shared>>) target_semaphore(%dma_start3A_185 : memref<!tpu.dma_semaphore, #tpu.memory_space<semaphore_mem>>)
      %add3A_192 = arith.constant 768 : i32
      %add3A_193 = arith.addi %mul3A_0, %add3A_192 : i32
      %dma_wait3A_194 = arith.constant 3 : i32
      %dma_wait3A_195 = arith.constant 3 : i32
      %dma_wait3A_196 = tpu.memref_slice %arg5[%dma_wait3A_195] : memref<4x!tpu.dma_semaphore, #tpu.memory_space<semaphore_mem>> -> memref<1x!tpu.dma_semaphore, #tpu.memory_space<semaphore_mem>>
      %dma_wait3A_197 = tpu.memref_squeeze %dma_wait3A_196 : memref<1x!tpu.dma_semaphore, #tpu.memory_space<semaphore_mem>> -> memref<!tpu.dma_semaphore, #tpu.memory_space<semaphore_mem>>
      %dma_wait3A_198 = arith.constant 0 : i32
      %dma_wait3A_199 = arith.constant 0 : i32
      %dma_wait3A_200 = tpu.memref_slice %arg4[%dma_wait3A_194, %dma_wait3A_198, %dma_wait3A_199] : memref<4x256x1024xf32, #tpu.memory_space<vmem_shared>> -> memref<1x256x1024xf32, #tpu.memory_space<vmem_shared>>
      %dma_wait3A_201 = tpu.memref_squeeze %dma_wait3A_200 : memref<1x256x1024xf32, #tpu.memory_space<vmem_shared>> -> memref<256x1024xf32, #tpu.memory_space<vmem_shared>>
      %dma_wait3A_202 = arith.constant 0 : i32
      %dma_wait3A_203 = tpu.memref_slice %arg2[%add3A_193, %dma_wait3A_202] : memref<8192x1024xf32, #tpu.memory_space<hbm>> -> memref<256x1024xf32, #tpu.memory_space<hbm>>
      tpu.wait_dma2 semaphore(%dma_wait3A_197 : memref<!tpu.dma_semaphore, #tpu.memory_space<semaphore_mem>>) src(%dma_wait3A_203 : memref<256x1024xf32, #tpu.memory_space<hbm>>) dst(%dma_wait3A_201 : memref<256x1024xf32, #tpu.memory_space<vmem_shared>>)
      %add3A_204 = arith.constant 768 : i32
      %add3A_205 = arith.addi %mul3A_0, %add3A_204 : i32
      %dma_start3A_206 = arith.constant 3 : i32
      %dma_start3A_207 = arith.constant 3 : i32
      %dma_start3A_208 = tpu.memref_slice %arg6[%dma_start3A_207] : memref<4x!tpu.dma_semaphore, #tpu.memory_space<semaphore_mem>> -> memref<1x!tpu.dma_semaphore, #tpu.memory_space<semaphore_mem>>
      %dma_start3A_209 = tpu.memref_squeeze %dma_start3A_208 : memref<1x!tpu.dma_semaphore, #tpu.memory_space<semaphore_mem>> -> memref<!tpu.dma_semaphore, #tpu.memory_space<semaphore_mem>>
      %dma_start3A_210 = arith.constant 0 : i32
      %dma_start3A_211 = tpu.memref_slice %arg3[%add3A_205, %dma_start3A_210] : memref<8192x1024xf32, #tpu.memory_space<hbm>> -> memref<256x1024xf32, #tpu.memory_space<hbm>>
      %dma_start3A_212 = arith.constant 0 : i32
      %dma_start3A_213 = arith.constant 0 : i32
      %dma_start3A_214 = tpu.memref_slice %arg4[%dma_start3A_206, %dma_start3A_212, %dma_start3A_213] : memref<4x256x1024xf32, #tpu.memory_space<vmem_shared>> -> memref<1x256x1024xf32, #tpu.memory_space<vmem_shared>>
      %dma_start3A_215 = tpu.memref_squeeze %dma_start3A_214 : memref<1x256x1024xf32, #tpu.memory_space<vmem_shared>> -> memref<256x1024xf32, #tpu.memory_space<vmem_shared>>
      tpu.enqueue_dma source(%dma_start3A_215 : memref<256x1024xf32, #tpu.memory_space<vmem_shared>>) target(%dma_start3A_211 : memref<256x1024xf32, #tpu.memory_space<hbm>>) target_semaphore(%dma_start3A_209 : memref<!tpu.dma_semaphore, #tpu.memory_space<semaphore_mem>>)
      %add3A_216 = arith.constant 768 : i32
      %add3A_217 = arith.addi %mul3A_0, %add3A_216 : i32
      %dma_wait3A_218 = arith.constant 3 : i32
      %dma_wait3A_219 = arith.constant 3 : i32
      %dma_wait3A_220 = tpu.memref_slice %arg6[%dma_wait3A_219] : memref<4x!tpu.dma_semaphore, #tpu.memory_space<semaphore_mem>> -> memref<1x!tpu.dma_semaphore, #tpu.memory_space<semaphore_mem>>
      %dma_wait3A_221 = tpu.memref_squeeze %dma_wait3A_220 : memref<1x!tpu.dma_semaphore, #tpu.memory_space<semaphore_mem>> -> memref<!tpu.dma_semaphore, #tpu.memory_space<semaphore_mem>>
      %dma_wait3A_222 = arith.constant 0 : i32
      %dma_wait3A_223 = tpu.memref_slice %arg3[%add3A_217, %dma_wait3A_222] : memref<8192x1024xf32, #tpu.memory_space<hbm>> -> memref<256x1024xf32, #tpu.memory_space<hbm>>
      %dma_wait3A_224 = arith.constant 0 : i32
      %dma_wait3A_225 = arith.constant 0 : i32
      %dma_wait3A_226 = tpu.memref_slice %arg4[%dma_wait3A_218, %dma_wait3A_224, %dma_wait3A_225] : memref<4x256x1024xf32, #tpu.memory_space<vmem_shared>> -> memref<1x256x1024xf32, #tpu.memory_space<vmem_shared>>
      %dma_wait3A_227 = tpu.memref_squeeze %dma_wait3A_226 : memref<1x256x1024xf32, #tpu.memory_space<vmem_shared>> -> memref<256x1024xf32, #tpu.memory_space<vmem_shared>>
      tpu.wait_dma2 semaphore(%dma_wait3A_221 : memref<!tpu.dma_semaphore, #tpu.memory_space<semaphore_mem>>) src(%dma_wait3A_227 : memref<256x1024xf32, #tpu.memory_space<vmem_shared>>) dst(%dma_wait3A_223 : memref<256x1024xf32, #tpu.memory_space<hbm>>)
      %add3A_228 = arith.constant 1792 : i32
      %add3A_229 = arith.addi %mul3A_0, %add3A_228 : i32
      %dma_start3A_230 = arith.constant 3 : i32
      %dma_start3A_231 = arith.constant 3 : i32
      %dma_start3A_232 = tpu.memref_slice %arg5[%dma_start3A_231] : memref<4x!tpu.dma_semaphore, #tpu.memory_space<semaphore_mem>> -> memref<1x!tpu.dma_semaphore, #tpu.memory_space<semaphore_mem>>
      %dma_start3A_233 = tpu.memref_squeeze %dma_start3A_232 : memref<1x!tpu.dma_semaphore, #tpu.memory_space<semaphore_mem>> -> memref<!tpu.dma_semaphore, #tpu.memory_space<semaphore_mem>>
      %dma_start3A_234 = arith.constant 0 : i32
      %dma_start3A_235 = arith.constant 0 : i32
      %dma_start3A_236 = tpu.memref_slice %arg4[%dma_start3A_230, %dma_start3A_234, %dma_start3A_235] : memref<4x256x1024xf32, #tpu.memory_space<vmem_shared>> -> memref<1x256x1024xf32, #tpu.memory_space<vmem_shared>>
      %dma_start3A_237 = tpu.memref_squeeze %dma_start3A_236 : memref<1x256x1024xf32, #tpu.memory_space<vmem_shared>> -> memref<256x1024xf32, #tpu.memory_space<vmem_shared>>
      %dma_start3A_238 = arith.constant 0 : i32
      %dma_start3A_239 = tpu.memref_slice %arg2[%add3A_229, %dma_start3A_238] : memref<8192x1024xf32, #tpu.memory_space<hbm>> -> memref<256x1024xf32, #tpu.memory_space<hbm>>
      tpu.enqueue_dma source(%dma_start3A_239 : memref<256x1024xf32, #tpu.memory_space<hbm>>) target(%dma_start3A_237 : memref<256x1024xf32, #tpu.memory_space<vmem_shared>>) target_semaphore(%dma_start3A_233 : memref<!tpu.dma_semaphore, #tpu.memory_space<semaphore_mem>>)
      %add3A_240 = arith.constant 1024 : i32
      %add3A_241 = arith.addi %mul3A_0, %add3A_240 : i32
      %dma_wait3A_242 = arith.constant 0 : i32
      %dma_wait3A_243 = arith.constant 0 : i32
      %dma_wait3A_244 = tpu.memref_slice %arg5[%dma_wait3A_243] : memref<4x!tpu.dma_semaphore, #tpu.memory_space<semaphore_mem>> -> memref<1x!tpu.dma_semaphore, #tpu.memory_space<semaphore_mem>>
      %dma_wait3A_245 = tpu.memref_squeeze %dma_wait3A_244 : memref<1x!tpu.dma_semaphore, #tpu.memory_space<semaphore_mem>> -> memref<!tpu.dma_semaphore, #tpu.memory_space<semaphore_mem>>
      %dma_wait3A_246 = arith.constant 0 : i32
      %dma_wait3A_247 = arith.constant 0 : i32
      %dma_wait3A_248 = tpu.memref_slice %arg4[%dma_wait3A_242, %dma_wait3A_246, %dma_wait3A_247] : memref<4x256x1024xf32, #tpu.memory_space<vmem_shared>> -> memref<1x256x1024xf32, #tpu.memory_space<vmem_shared>>
      %dma_wait3A_249 = tpu.memref_squeeze %dma_wait3A_248 : memref<1x256x1024xf32, #tpu.memory_space<vmem_shared>> -> memref<256x1024xf32, #tpu.memory_space<vmem_shared>>
      %dma_wait3A_250 = arith.constant 0 : i32
      %dma_wait3A_251 = tpu.memref_slice %arg2[%add3A_241, %dma_wait3A_250] : memref<8192x1024xf32, #tpu.memory_space<hbm>> -> memref<256x1024xf32, #tpu.memory_space<hbm>>
      tpu.wait_dma2 semaphore(%dma_wait3A_245 : memref<!tpu.dma_semaphore, #tpu.memory_space<semaphore_mem>>) src(%dma_wait3A_251 : memref<256x1024xf32, #tpu.memory_space<hbm>>) dst(%dma_wait3A_249 : memref<256x1024xf32, #tpu.memory_space<vmem_shared>>)
      %add3A_252 = arith.constant 1024 : i32
      %add3A_253 = arith.addi %mul3A_0, %add3A_252 : i32
      %dma_start3A_254 = arith.constant 0 : i32
      %dma_start3A_255 = arith.constant 0 : i32
      %dma_start3A_256 = tpu.memref_slice %arg6[%dma_start3A_255] : memref<4x!tpu.dma_semaphore, #tpu.memory_space<semaphore_mem>> -> memref<1x!tpu.dma_semaphore, #tpu.memory_space<semaphore_mem>>
      %dma_start3A_257 = tpu.memref_squeeze %dma_start3A_256 : memref<1x!tpu.dma_semaphore, #tpu.memory_space<semaphore_mem>> -> memref<!tpu.dma_semaphore, #tpu.memory_space<semaphore_mem>>
      %dma_start3A_258 = arith.constant 0 : i32
      %dma_start3A_259 = tpu.memref_slice %arg3[%add3A_253, %dma_start3A_258] : memref<8192x1024xf32, #tpu.memory_space<hbm>> -> memref<256x1024xf32, #tpu.memory_space<hbm>>
      %dma_start3A_260 = arith.constant 0 : i32
      %dma_start3A_261 = arith.constant 0 : i32
      %dma_start3A_262 = tpu.memref_slice %arg4[%dma_start3A_254, %dma_start3A_260, %dma_start3A_261] : memref<4x256x1024xf32, #tpu.memory_space<vmem_shared>> -> memref<1x256x1024xf32, #tpu.memory_space<vmem_shared>>
      %dma_start3A_263 = tpu.memref_squeeze %dma_start3A_262 : memref<1x256x1024xf32, #tpu.memory_space<vmem_shared>> -> memref<256x1024xf32, #tpu.memory_space<vmem_shared>>
      tpu.enqueue_dma source(%dma_start3A_263 : memref<256x1024xf32, #tpu.memory_space<vmem_shared>>) target(%dma_start3A_259 : memref<256x1024xf32, #tpu.memory_space<hbm>>) target_semaphore(%dma_start3A_257 : memref<!tpu.dma_semaphore, #tpu.memory_space<semaphore_mem>>)
      %add3A_264 = arith.constant 1024 : i32
      %add3A_265 = arith.addi %mul3A_0, %add3A_264 : i32
      %dma_wait3A_266 = arith.constant 0 : i32
      %dma_wait3A_267 = arith.constant 0 : i32
      %dma_wait3A_268 = tpu.memref_slice %arg6[%dma_wait3A_267] : memref<4x!tpu.dma_semaphore, #tpu.memory_space<semaphore_mem>> -> memref<1x!tpu.dma_semaphore, #tpu.memory_space<semaphore_mem>>
      %dma_wait3A_269 = tpu.memref_squeeze %dma_wait3A_268 : memref<1x!tpu.dma_semaphore, #tpu.memory_space<semaphore_mem>> -> memref<!tpu.dma_semaphore, #tpu.memory_space<semaphore_mem>>
      %dma_wait3A_270 = arith.constant 0 : i32
      %dma_wait3A_271 = tpu.memref_slice %arg3[%add3A_265, %dma_wait3A_270] : memref<8192x1024xf32, #tpu.memory_space<hbm>> -> memref<256x1024xf32, #tpu.memory_space<hbm>>
      %dma_wait3A_272 = arith.constant 0 : i32
      %dma_wait3A_273 = arith.constant 0 : i32
      %dma_wait3A_274 = tpu.memref_slice %arg4[%dma_wait3A_266, %dma_wait3A_272, %dma_wait3A_273] : memref<4x256x1024xf32, #tpu.memory_space<vmem_shared>> -> memref<1x256x1024xf32, #tpu.memory_space<vmem_shared>>
      %dma_wait3A_275 = tpu.memref_squeeze %dma_wait3A_274 : memref<1x256x1024xf32, #tpu.memory_space<vmem_shared>> -> memref<256x1024xf32, #tpu.memory_space<vmem_shared>>
      tpu.wait_dma2 semaphore(%dma_wait3A_269 : memref<!tpu.dma_semaphore, #tpu.memory_space<semaphore_mem>>) src(%dma_wait3A_275 : memref<256x1024xf32, #tpu.memory_space<vmem_shared>>) dst(%dma_wait3A_271 : memref<256x1024xf32, #tpu.memory_space<hbm>>)
      %add3A_276 = arith.constant 2048 : i32
      %add3A_277 = arith.addi %mul3A_0, %add3A_276 : i32
      %dma_start3A_278 = arith.constant 0 : i32
      %dma_start3A_279 = arith.constant 0 : i32
      %dma_start3A_280 = tpu.memref_slice %arg5[%dma_start3A_279] : memref<4x!tpu.dma_semaphore, #tpu.memory_space<semaphore_mem>> -> memref<1x!tpu.dma_semaphore, #tpu.memory_space<semaphore_mem>>
      %dma_start3A_281 = tpu.memref_squeeze %dma_start3A_280 : memref<1x!tpu.dma_semaphore, #tpu.memory_space<semaphore_mem>> -> memref<!tpu.dma_semaphore, #tpu.memory_space<semaphore_mem>>
      %dma_start3A_282 = arith.constant 0 : i32
      %dma_start3A_283 = arith.constant 0 : i32
      %dma_start3A_284 = tpu.memref_slice %arg4[%dma_start3A_278, %dma_start3A_282, %dma_start3A_283] : memref<4x256x1024xf32, #tpu.memory_space<vmem_shared>> -> memref<1x256x1024xf32, #tpu.memory_space<vmem_shared>>
      %dma_start3A_285 = tpu.memref_squeeze %dma_start3A_284 : memref<1x256x1024xf32, #tpu.memory_space<vmem_shared>> -> memref<256x1024xf32, #tpu.memory_space<vmem_shared>>
      %dma_start3A_286 = arith.constant 0 : i32
      %dma_start3A_287 = tpu.memref_slice %arg2[%add3A_277, %dma_start3A_286] : memref<8192x1024xf32, #tpu.memory_space<hbm>> -> memref<256x1024xf32, #tpu.memory_space<hbm>>
      tpu.enqueue_dma source(%dma_start3A_287 : memref<256x1024xf32, #tpu.memory_space<hbm>>) target(%dma_start3A_285 : memref<256x1024xf32, #tpu.memory_space<vmem_shared>>) target_semaphore(%dma_start3A_281 : memref<!tpu.dma_semaphore, #tpu.memory_space<semaphore_mem>>)
      %add3A_288 = arith.constant 1280 : i32
      %add3A_289 = arith.addi %mul3A_0, %add3A_288 : i32
      %dma_wait3A_290 = arith.constant 1 : i32
      %dma_wait3A_291 = arith.constant 1 : i32
      %dma_wait3A_292 = tpu.memref_slice %arg5[%dma_wait3A_291] : memref<4x!tpu.dma_semaphore, #tpu.memory_space<semaphore_mem>> -> memref<1x!tpu.dma_semaphore, #tpu.memory_space<semaphore_mem>>
      %dma_wait3A_293 = tpu.memref_squeeze %dma_wait3A_292 : memref<1x!tpu.dma_semaphore, #tpu.memory_space<semaphore_mem>> -> memref<!tpu.dma_semaphore, #tpu.memory_space<semaphore_mem>>
      %dma_wait3A_294 = arith.constant 0 : i32
      %dma_wait3A_295 = arith.constant 0 : i32
      %dma_wait3A_296 = tpu.memref_slice %arg4[%dma_wait3A_290, %dma_wait3A_294, %dma_wait3A_295] : memref<4x256x1024xf32, #tpu.memory_space<vmem_shared>> -> memref<1x256x1024xf32, #tpu.memory_space<vmem_shared>>
      %dma_wait3A_297 = tpu.memref_squeeze %dma_wait3A_296 : memref<1x256x1024xf32, #tpu.memory_space<vmem_shared>> -> memref<256x1024xf32, #tpu.memory_space<vmem_shared>>
      %dma_wait3A_298 = arith.constant 0 : i32
      %dma_wait3A_299 = tpu.memref_slice %arg2[%add3A_289, %dma_wait3A_298] : memref<8192x1024xf32, #tpu.memory_space<hbm>> -> memref<256x1024xf32, #tpu.memory_space<hbm>>
      tpu.wait_dma2 semaphore(%dma_wait3A_293 : memref<!tpu.dma_semaphore, #tpu.memory_space<semaphore_mem>>) src(%dma_wait3A_299 : memref<256x1024xf32, #tpu.memory_space<hbm>>) dst(%dma_wait3A_297 : memref<256x1024xf32, #tpu.memory_space<vmem_shared>>)
      %add3A_300 = arith.constant 1280 : i32
      %add3A_301 = arith.addi %mul3A_0, %add3A_300 : i32
      %dma_start3A_302 = arith.constant 1 : i32
      %dma_start3A_303 = arith.constant 1 : i32
      %dma_start3A_304 = tpu.memref_slice %arg6[%dma_start3A_303] : memref<4x!tpu.dma_semaphore, #tpu.memory_space<semaphore_mem>> -> memref<1x!tpu.dma_semaphore, #tpu.memory_space<semaphore_mem>>
      %dma_start3A_305 = tpu.memref_squeeze %dma_start3A_304 : memref<1x!tpu.dma_semaphore, #tpu.memory_space<semaphore_mem>> -> memref<!tpu.dma_semaphore, #tpu.memory_space<semaphore_mem>>
      %dma_start3A_306 = arith.constant 0 : i32
      %dma_start3A_307 = tpu.memref_slice %arg3[%add3A_301, %dma_start3A_306] : memref<8192x1024xf32, #tpu.memory_space<hbm>> -> memref<256x1024xf32, #tpu.memory_space<hbm>>
      %dma_start3A_308 = arith.constant 0 : i32
      %dma_start3A_309 = arith.constant 0 : i32
      %dma_start3A_310 = tpu.memref_slice %arg4[%dma_start3A_302, %dma_start3A_308, %dma_start3A_309] : memref<4x256x1024xf32, #tpu.memory_space<vmem_shared>> -> memref<1x256x1024xf32, #tpu.memory_space<vmem_shared>>
      %dma_start3A_311 = tpu.memref_squeeze %dma_start3A_310 : memref<1x256x1024xf32, #tpu.memory_space<vmem_shared>> -> memref<256x1024xf32, #tpu.memory_space<vmem_shared>>
      tpu.enqueue_dma source(%dma_start3A_311 : memref<256x1024xf32, #tpu.memory_space<vmem_shared>>) target(%dma_start3A_307 : memref<256x1024xf32, #tpu.memory_space<hbm>>) target_semaphore(%dma_start3A_305 : memref<!tpu.dma_semaphore, #tpu.memory_space<semaphore_mem>>)
      %add3A_312 = arith.constant 1280 : i32
      %add3A_313 = arith.addi %mul3A_0, %add3A_312 : i32
      %dma_wait3A_314 = arith.constant 1 : i32
      %dma_wait3A_315 = arith.constant 1 : i32
      %dma_wait3A_316 = tpu.memref_slice %arg6[%dma_wait3A_315] : memref<4x!tpu.dma_semaphore, #tpu.memory_space<semaphore_mem>> -> memref<1x!tpu.dma_semaphore, #tpu.memory_space<semaphore_mem>>
      %dma_wait3A_317 = tpu.memref_squeeze %dma_wait3A_316 : memref<1x!tpu.dma_semaphore, #tpu.memory_space<semaphore_mem>> -> memref<!tpu.dma_semaphore, #tpu.memory_space<semaphore_mem>>
      %dma_wait3A_318 = arith.constant 0 : i32
      %dma_wait3A_319 = tpu.memref_slice %arg3[%add3A_313, %dma_wait3A_318] : memref<8192x1024xf32, #tpu.memory_space<hbm>> -> memref<256x1024xf32, #tpu.memory_space<hbm>>
      %dma_wait3A_320 = arith.constant 0 : i32
      %dma_wait3A_321 = arith.constant 0 : i32
      %dma_wait3A_322 = tpu.memref_slice %arg4[%dma_wait3A_314, %dma_wait3A_320, %dma_wait3A_321] : memref<4x256x1024xf32, #tpu.memory_space<vmem_shared>> -> memref<1x256x1024xf32, #tpu.memory_space<vmem_shared>>
      %dma_wait3A_323 = tpu.memref_squeeze %dma_wait3A_322 : memref<1x256x1024xf32, #tpu.memory_space<vmem_shared>> -> memref<256x1024xf32, #tpu.memory_space<vmem_shared>>
      tpu.wait_dma2 semaphore(%dma_wait3A_317 : memref<!tpu.dma_semaphore, #tpu.memory_space<semaphore_mem>>) src(%dma_wait3A_323 : memref<256x1024xf32, #tpu.memory_space<vmem_shared>>) dst(%dma_wait3A_319 : memref<256x1024xf32, #tpu.memory_space<hbm>>)
      %add3A_324 = arith.constant 2304 : i32
      %add3A_325 = arith.addi %mul3A_0, %add3A_324 : i32
      %dma_start3A_326 = arith.constant 1 : i32
      %dma_start3A_327 = arith.constant 1 : i32
      %dma_start3A_328 = tpu.memref_slice %arg5[%dma_start3A_327] : memref<4x!tpu.dma_semaphore, #tpu.memory_space<semaphore_mem>> -> memref<1x!tpu.dma_semaphore, #tpu.memory_space<semaphore_mem>>
      %dma_start3A_329 = tpu.memref_squeeze %dma_start3A_328 : memref<1x!tpu.dma_semaphore, #tpu.memory_space<semaphore_mem>> -> memref<!tpu.dma_semaphore, #tpu.memory_space<semaphore_mem>>
      %dma_start3A_330 = arith.constant 0 : i32
      %dma_start3A_331 = arith.constant 0 : i32
      %dma_start3A_332 = tpu.memref_slice %arg4[%dma_start3A_326, %dma_start3A_330, %dma_start3A_331] : memref<4x256x1024xf32, #tpu.memory_space<vmem_shared>> -> memref<1x256x1024xf32, #tpu.memory_space<vmem_shared>>
      %dma_start3A_333 = tpu.memref_squeeze %dma_start3A_332 : memref<1x256x1024xf32, #tpu.memory_space<vmem_shared>> -> memref<256x1024xf32, #tpu.memory_space<vmem_shared>>
      %dma_start3A_334 = arith.constant 0 : i32
      %dma_start3A_335 = tpu.memref_slice %arg2[%add3A_325, %dma_start3A_334] : memref<8192x1024xf32, #tpu.memory_space<hbm>> -> memref<256x1024xf32, #tpu.memory_space<hbm>>
      tpu.enqueue_dma source(%dma_start3A_335 : memref<256x1024xf32, #tpu.memory_space<hbm>>) target(%dma_start3A_333 : memref<256x1024xf32, #tpu.memory_space<vmem_shared>>) target_semaphore(%dma_start3A_329 : memref<!tpu.dma_semaphore, #tpu.memory_space<semaphore_mem>>)
      %add3A_336 = arith.constant 1536 : i32
      %add3A_337 = arith.addi %mul3A_0, %add3A_336 : i32
      %dma_wait3A_338 = arith.constant 2 : i32
      %dma_wait3A_339 = arith.constant 2 : i32
      %dma_wait3A_340 = tpu.memref_slice %arg5[%dma_wait3A_339] : memref<4x!tpu.dma_semaphore, #tpu.memory_space<semaphore_mem>> -> memref<1x!tpu.dma_semaphore, #tpu.memory_space<semaphore_mem>>
      %dma_wait3A_341 = tpu.memref_squeeze %dma_wait3A_340 : memref<1x!tpu.dma_semaphore, #tpu.memory_space<semaphore_mem>> -> memref<!tpu.dma_semaphore, #tpu.memory_space<semaphore_mem>>
      %dma_wait3A_342 = arith.constant 0 : i32
      %dma_wait3A_343 = arith.constant 0 : i32
      %dma_wait3A_344 = tpu.memref_slice %arg4[%dma_wait3A_338, %dma_wait3A_342, %dma_wait3A_343] : memref<4x256x1024xf32, #tpu.memory_space<vmem_shared>> -> memref<1x256x1024xf32, #tpu.memory_space<vmem_shared>>
      %dma_wait3A_345 = tpu.memref_squeeze %dma_wait3A_344 : memref<1x256x1024xf32, #tpu.memory_space<vmem_shared>> -> memref<256x1024xf32, #tpu.memory_space<vmem_shared>>
      %dma_wait3A_346 = arith.constant 0 : i32
      %dma_wait3A_347 = tpu.memref_slice %arg2[%add3A_337, %dma_wait3A_346] : memref<8192x1024xf32, #tpu.memory_space<hbm>> -> memref<256x1024xf32, #tpu.memory_space<hbm>>
      tpu.wait_dma2 semaphore(%dma_wait3A_341 : memref<!tpu.dma_semaphore, #tpu.memory_space<semaphore_mem>>) src(%dma_wait3A_347 : memref<256x1024xf32, #tpu.memory_space<hbm>>) dst(%dma_wait3A_345 : memref<256x1024xf32, #tpu.memory_space<vmem_shared>>)
      %add3A_348 = arith.constant 1536 : i32
      %add3A_349 = arith.addi %mul3A_0, %add3A_348 : i32
      %dma_start3A_350 = arith.constant 2 : i32
      %dma_start3A_351 = arith.constant 2 : i32
      %dma_start3A_352 = tpu.memref_slice %arg6[%dma_start3A_351] : memref<4x!tpu.dma_semaphore, #tpu.memory_space<semaphore_mem>> -> memref<1x!tpu.dma_semaphore, #tpu.memory_space<semaphore_mem>>
      %dma_start3A_353 = tpu.memref_squeeze %dma_start3A_352 : memref<1x!tpu.dma_semaphore, #tpu.memory_space<semaphore_mem>> -> memref<!tpu.dma_semaphore, #tpu.memory_space<semaphore_mem>>
      %dma_start3A_354 = arith.constant 0 : i32
      %dma_start3A_355 = tpu.memref_slice %arg3[%add3A_349, %dma_start3A_354] : memref<8192x1024xf32, #tpu.memory_space<hbm>> -> memref<256x1024xf32, #tpu.memory_space<hbm>>
      %dma_start3A_356 = arith.constant 0 : i32
      %dma_start3A_357 = arith.constant 0 : i32
      %dma_start3A_358 = tpu.memref_slice %arg4[%dma_start3A_350, %dma_start3A_356, %dma_start3A_357] : memref<4x256x1024xf32, #tpu.memory_space<vmem_shared>> -> memref<1x256x1024xf32, #tpu.memory_space<vmem_shared>>
      %dma_start3A_359 = tpu.memref_squeeze %dma_start3A_358 : memref<1x256x1024xf32, #tpu.memory_space<vmem_shared>> -> memref<256x1024xf32, #tpu.memory_space<vmem_shared>>
      tpu.enqueue_dma source(%dma_start3A_359 : memref<256x1024xf32, #tpu.memory_space<vmem_shared>>) target(%dma_start3A_355 : memref<256x1024xf32, #tpu.memory_space<hbm>>) target_semaphore(%dma_start3A_353 : memref<!tpu.dma_semaphore, #tpu.memory_space<semaphore_mem>>)
      %add3A_360 = arith.constant 1536 : i32
      %add3A_361 = arith.addi %mul3A_0, %add3A_360 : i32
      %dma_wait3A_362 = arith.constant 2 : i32
      %dma_wait3A_363 = arith.constant 2 : i32
      %dma_wait3A_364 = tpu.memref_slice %arg6[%dma_wait3A_363] : memref<4x!tpu.dma_semaphore, #tpu.memory_space<semaphore_mem>> -> memref<1x!tpu.dma_semaphore, #tpu.memory_space<semaphore_mem>>
      %dma_wait3A_365 = tpu.memref_squeeze %dma_wait3A_364 : memref<1x!tpu.dma_semaphore, #tpu.memory_space<semaphore_mem>> -> memref<!tpu.dma_semaphore, #tpu.memory_space<semaphore_mem>>
      %dma_wait3A_366 = arith.constant 0 : i32
      %dma_wait3A_367 = tpu.memref_slice %arg3[%add3A_361, %dma_wait3A_366] : memref<8192x1024xf32, #tpu.memory_space<hbm>> -> memref<256x1024xf32, #tpu.memory_space<hbm>>
      %dma_wait3A_368 = arith.constant 0 : i32
      %dma_wait3A_369 = arith.constant 0 : i32
      %dma_wait3A_370 = tpu.memref_slice %arg4[%dma_wait3A_362, %dma_wait3A_368, %dma_wait3A_369] : memref<4x256x1024xf32, #tpu.memory_space<vmem_shared>> -> memref<1x256x1024xf32, #tpu.memory_space<vmem_shared>>
      %dma_wait3A_371 = tpu.memref_squeeze %dma_wait3A_370 : memref<1x256x1024xf32, #tpu.memory_space<vmem_shared>> -> memref<256x1024xf32, #tpu.memory_space<vmem_shared>>
      tpu.wait_dma2 semaphore(%dma_wait3A_365 : memref<!tpu.dma_semaphore, #tpu.memory_space<semaphore_mem>>) src(%dma_wait3A_371 : memref<256x1024xf32, #tpu.memory_space<vmem_shared>>) dst(%dma_wait3A_367 : memref<256x1024xf32, #tpu.memory_space<hbm>>)
      %add3A_372 = arith.constant 2560 : i32
      %add3A_373 = arith.addi %mul3A_0, %add3A_372 : i32
      %dma_start3A_374 = arith.constant 2 : i32
      %dma_start3A_375 = arith.constant 2 : i32
      %dma_start3A_376 = tpu.memref_slice %arg5[%dma_start3A_375] : memref<4x!tpu.dma_semaphore, #tpu.memory_space<semaphore_mem>> -> memref<1x!tpu.dma_semaphore, #tpu.memory_space<semaphore_mem>>
      %dma_start3A_377 = tpu.memref_squeeze %dma_start3A_376 : memref<1x!tpu.dma_semaphore, #tpu.memory_space<semaphore_mem>> -> memref<!tpu.dma_semaphore, #tpu.memory_space<semaphore_mem>>
      %dma_start3A_378 = arith.constant 0 : i32
      %dma_start3A_379 = arith.constant 0 : i32
      %dma_start3A_380 = tpu.memref_slice %arg4[%dma_start3A_374, %dma_start3A_378, %dma_start3A_379] : memref<4x256x1024xf32, #tpu.memory_space<vmem_shared>> -> memref<1x256x1024xf32, #tpu.memory_space<vmem_shared>>
      %dma_start3A_381 = tpu.memref_squeeze %dma_start3A_380 : memref<1x256x1024xf32, #tpu.memory_space<vmem_shared>> -> memref<256x1024xf32, #tpu.memory_space<vmem_shared>>
      %dma_start3A_382 = arith.constant 0 : i32
      %dma_start3A_383 = tpu.memref_slice %arg2[%add3A_373, %dma_start3A_382] : memref<8192x1024xf32, #tpu.memory_space<hbm>> -> memref<256x1024xf32, #tpu.memory_space<hbm>>
      tpu.enqueue_dma source(%dma_start3A_383 : memref<256x1024xf32, #tpu.memory_space<hbm>>) target(%dma_start3A_381 : memref<256x1024xf32, #tpu.memory_space<vmem_shared>>) target_semaphore(%dma_start3A_377 : memref<!tpu.dma_semaphore, #tpu.memory_space<semaphore_mem>>)
      %add3A_384 = arith.constant 1792 : i32
      %add3A_385 = arith.addi %mul3A_0, %add3A_384 : i32
      %dma_wait3A_386 = arith.constant 3 : i32
      %dma_wait3A_387 = arith.constant 3 : i32
      %dma_wait3A_388 = tpu.memref_slice %arg5[%dma_wait3A_387] : memref<4x!tpu.dma_semaphore, #tpu.memory_space<semaphore_mem>> -> memref<1x!tpu.dma_semaphore, #tpu.memory_space<semaphore_mem>>
      %dma_wait3A_389 = tpu.memref_squeeze %dma_wait3A_388 : memref<1x!tpu.dma_semaphore, #tpu.memory_space<semaphore_mem>> -> memref<!tpu.dma_semaphore, #tpu.memory_space<semaphore_mem>>
      %dma_wait3A_390 = arith.constant 0 : i32
      %dma_wait3A_391 = arith.constant 0 : i32
      %dma_wait3A_392 = tpu.memref_slice %arg4[%dma_wait3A_386, %dma_wait3A_390, %dma_wait3A_391] : memref<4x256x1024xf32, #tpu.memory_space<vmem_shared>> -> memref<1x256x1024xf32, #tpu.memory_space<vmem_shared>>
      %dma_wait3A_393 = tpu.memref_squeeze %dma_wait3A_392 : memref<1x256x1024xf32, #tpu.memory_space<vmem_shared>> -> memref<256x1024xf32, #tpu.memory_space<vmem_shared>>
      %dma_wait3A_394 = arith.constant 0 : i32
      %dma_wait3A_395 = tpu.memref_slice %arg2[%add3A_385, %dma_wait3A_394] : memref<8192x1024xf32, #tpu.memory_space<hbm>> -> memref<256x1024xf32, #tpu.memory_space<hbm>>
      tpu.wait_dma2 semaphore(%dma_wait3A_389 : memref<!tpu.dma_semaphore, #tpu.memory_space<semaphore_mem>>) src(%dma_wait3A_395 : memref<256x1024xf32, #tpu.memory_space<hbm>>) dst(%dma_wait3A_393 : memref<256x1024xf32, #tpu.memory_space<vmem_shared>>)
      %add3A_396 = arith.constant 1792 : i32
      %add3A_397 = arith.addi %mul3A_0, %add3A_396 : i32
      %dma_start3A_398 = arith.constant 3 : i32
      %dma_start3A_399 = arith.constant 3 : i32
      %dma_start3A_400 = tpu.memref_slice %arg6[%dma_start3A_399] : memref<4x!tpu.dma_semaphore, #tpu.memory_space<semaphore_mem>> -> memref<1x!tpu.dma_semaphore, #tpu.memory_space<semaphore_mem>>
      %dma_start3A_401 = tpu.memref_squeeze %dma_start3A_400 : memref<1x!tpu.dma_semaphore, #tpu.memory_space<semaphore_mem>> -> memref<!tpu.dma_semaphore, #tpu.memory_space<semaphore_mem>>
      %dma_start3A_402 = arith.constant 0 : i32
      %dma_start3A_403 = tpu.memref_slice %arg3[%add3A_397, %dma_start3A_402] : memref<8192x1024xf32, #tpu.memory_space<hbm>> -> memref<256x1024xf32, #tpu.memory_space<hbm>>
      %dma_start3A_404 = arith.constant 0 : i32
      %dma_start3A_405 = arith.constant 0 : i32
      %dma_start3A_406 = tpu.memref_slice %arg4[%dma_start3A_398, %dma_start3A_404, %dma_start3A_405] : memref<4x256x1024xf32, #tpu.memory_space<vmem_shared>> -> memref<1x256x1024xf32, #tpu.memory_space<vmem_shared>>
      %dma_start3A_407 = tpu.memref_squeeze %dma_start3A_406 : memref<1x256x1024xf32, #tpu.memory_space<vmem_shared>> -> memref<256x1024xf32, #tpu.memory_space<vmem_shared>>
      tpu.enqueue_dma source(%dma_start3A_407 : memref<256x1024xf32, #tpu.memory_space<vmem_shared>>) target(%dma_start3A_403 : memref<256x1024xf32, #tpu.memory_space<hbm>>) target_semaphore(%dma_start3A_401 : memref<!tpu.dma_semaphore, #tpu.memory_space<semaphore_mem>>)
      %add3A_408 = arith.constant 1792 : i32
      %add3A_409 = arith.addi %mul3A_0, %add3A_408 : i32
      %dma_wait3A_410 = arith.constant 3 : i32
      %dma_wait3A_411 = arith.constant 3 : i32
      %dma_wait3A_412 = tpu.memref_slice %arg6[%dma_wait3A_411] : memref<4x!tpu.dma_semaphore, #tpu.memory_space<semaphore_mem>> -> memref<1x!tpu.dma_semaphore, #tpu.memory_space<semaphore_mem>>
      %dma_wait3A_413 = tpu.memref_squeeze %dma_wait3A_412 : memref<1x!tpu.dma_semaphore, #tpu.memory_space<semaphore_mem>> -> memref<!tpu.dma_semaphore, #tpu.memory_space<semaphore_mem>>
      %dma_wait3A_414 = arith.constant 0 : i32
      %dma_wait3A_415 = tpu.memref_slice %arg3[%add3A_409, %dma_wait3A_414] : memref<8192x1024xf32, #tpu.memory_space<hbm>> -> memref<256x1024xf32, #tpu.memory_space<hbm>>
      %dma_wait3A_416 = arith.constant 0 : i32
      %dma_wait3A_417 = arith.constant 0 : i32
      %dma_wait3A_418 = tpu.memref_slice %arg4[%dma_wait3A_410, %dma_wait3A_416, %dma_wait3A_417] : memref<4x256x1024xf32, #tpu.memory_space<vmem_shared>> -> memref<1x256x1024xf32, #tpu.memory_space<vmem_shared>>
      %dma_wait3A_419 = tpu.memref_squeeze %dma_wait3A_418 : memref<1x256x1024xf32, #tpu.memory_space<vmem_shared>> -> memref<256x1024xf32, #tpu.memory_space<vmem_shared>>
      tpu.wait_dma2 semaphore(%dma_wait3A_413 : memref<!tpu.dma_semaphore, #tpu.memory_space<semaphore_mem>>) src(%dma_wait3A_419 : memref<256x1024xf32, #tpu.memory_space<vmem_shared>>) dst(%dma_wait3A_415 : memref<256x1024xf32, #tpu.memory_space<hbm>>)
      %add3A_420 = arith.constant 2816 : i32
      %add3A_421 = arith.addi %mul3A_0, %add3A_420 : i32
      %dma_start3A_422 = arith.constant 3 : i32
      %dma_start3A_423 = arith.constant 3 : i32
      %dma_start3A_424 = tpu.memref_slice %arg5[%dma_start3A_423] : memref<4x!tpu.dma_semaphore, #tpu.memory_space<semaphore_mem>> -> memref<1x!tpu.dma_semaphore, #tpu.memory_space<semaphore_mem>>
      %dma_start3A_425 = tpu.memref_squeeze %dma_start3A_424 : memref<1x!tpu.dma_semaphore, #tpu.memory_space<semaphore_mem>> -> memref<!tpu.dma_semaphore, #tpu.memory_space<semaphore_mem>>
      %dma_start3A_426 = arith.constant 0 : i32
      %dma_start3A_427 = arith.constant 0 : i32
      %dma_start3A_428 = tpu.memref_slice %arg4[%dma_start3A_422, %dma_start3A_426, %dma_start3A_427] : memref<4x256x1024xf32, #tpu.memory_space<vmem_shared>> -> memref<1x256x1024xf32, #tpu.memory_space<vmem_shared>>
      %dma_start3A_429 = tpu.memref_squeeze %dma_start3A_428 : memref<1x256x1024xf32, #tpu.memory_space<vmem_shared>> -> memref<256x1024xf32, #tpu.memory_space<vmem_shared>>
      %dma_start3A_430 = arith.constant 0 : i32
      %dma_start3A_431 = tpu.memref_slice %arg2[%add3A_421, %dma_start3A_430] : memref<8192x1024xf32, #tpu.memory_space<hbm>> -> memref<256x1024xf32, #tpu.memory_space<hbm>>
      tpu.enqueue_dma source(%dma_start3A_431 : memref<256x1024xf32, #tpu.memory_space<hbm>>) target(%dma_start3A_429 : memref<256x1024xf32, #tpu.memory_space<vmem_shared>>) target_semaphore(%dma_start3A_425 : memref<!tpu.dma_semaphore, #tpu.memory_space<semaphore_mem>>)
      %add3A_432 = arith.constant 2048 : i32
      %add3A_433 = arith.addi %mul3A_0, %add3A_432 : i32
      %dma_wait3A_434 = arith.constant 0 : i32
      %dma_wait3A_435 = arith.constant 0 : i32
      %dma_wait3A_436 = tpu.memref_slice %arg5[%dma_wait3A_435] : memref<4x!tpu.dma_semaphore, #tpu.memory_space<semaphore_mem>> -> memref<1x!tpu.dma_semaphore, #tpu.memory_space<semaphore_mem>>
      %dma_wait3A_437 = tpu.memref_squeeze %dma_wait3A_436 : memref<1x!tpu.dma_semaphore, #tpu.memory_space<semaphore_mem>> -> memref<!tpu.dma_semaphore, #tpu.memory_space<semaphore_mem>>
      %dma_wait3A_438 = arith.constant 0 : i32
      %dma_wait3A_439 = arith.constant 0 : i32
      %dma_wait3A_440 = tpu.memref_slice %arg4[%dma_wait3A_434, %dma_wait3A_438, %dma_wait3A_439] : memref<4x256x1024xf32, #tpu.memory_space<vmem_shared>> -> memref<1x256x1024xf32, #tpu.memory_space<vmem_shared>>
      %dma_wait3A_441 = tpu.memref_squeeze %dma_wait3A_440 : memref<1x256x1024xf32, #tpu.memory_space<vmem_shared>> -> memref<256x1024xf32, #tpu.memory_space<vmem_shared>>
      %dma_wait3A_442 = arith.constant 0 : i32
      %dma_wait3A_443 = tpu.memref_slice %arg2[%add3A_433, %dma_wait3A_442] : memref<8192x1024xf32, #tpu.memory_space<hbm>> -> memref<256x1024xf32, #tpu.memory_space<hbm>>
      tpu.wait_dma2 semaphore(%dma_wait3A_437 : memref<!tpu.dma_semaphore, #tpu.memory_space<semaphore_mem>>) src(%dma_wait3A_443 : memref<256x1024xf32, #tpu.memory_space<hbm>>) dst(%dma_wait3A_441 : memref<256x1024xf32, #tpu.memory_space<vmem_shared>>)
      %add3A_444 = arith.constant 2048 : i32
      %add3A_445 = arith.addi %mul3A_0, %add3A_444 : i32
      %dma_start3A_446 = arith.constant 0 : i32
      %dma_start3A_447 = arith.constant 0 : i32
      %dma_start3A_448 = tpu.memref_slice %arg6[%dma_start3A_447] : memref<4x!tpu.dma_semaphore, #tpu.memory_space<semaphore_mem>> -> memref<1x!tpu.dma_semaphore, #tpu.memory_space<semaphore_mem>>
      %dma_start3A_449 = tpu.memref_squeeze %dma_start3A_448 : memref<1x!tpu.dma_semaphore, #tpu.memory_space<semaphore_mem>> -> memref<!tpu.dma_semaphore, #tpu.memory_space<semaphore_mem>>
      %dma_start3A_450 = arith.constant 0 : i32
      %dma_start3A_451 = tpu.memref_slice %arg3[%add3A_445, %dma_start3A_450] : memref<8192x1024xf32, #tpu.memory_space<hbm>> -> memref<256x1024xf32, #tpu.memory_space<hbm>>
      %dma_start3A_452 = arith.constant 0 : i32
      %dma_start3A_453 = arith.constant 0 : i32
      %dma_start3A_454 = tpu.memref_slice %arg4[%dma_start3A_446, %dma_start3A_452, %dma_start3A_453] : memref<4x256x1024xf32, #tpu.memory_space<vmem_shared>> -> memref<1x256x1024xf32, #tpu.memory_space<vmem_shared>>
      %dma_start3A_455 = tpu.memref_squeeze %dma_start3A_454 : memref<1x256x1024xf32, #tpu.memory_space<vmem_shared>> -> memref<256x1024xf32, #tpu.memory_space<vmem_shared>>
      tpu.enqueue_dma source(%dma_start3A_455 : memref<256x1024xf32, #tpu.memory_space<vmem_shared>>) target(%dma_start3A_451 : memref<256x1024xf32, #tpu.memory_space<hbm>>) target_semaphore(%dma_start3A_449 : memref<!tpu.dma_semaphore, #tpu.memory_space<semaphore_mem>>)
      %add3A_456 = arith.constant 2048 : i32
      %add3A_457 = arith.addi %mul3A_0, %add3A_456 : i32
      %dma_wait3A_458 = arith.constant 0 : i32
      %dma_wait3A_459 = arith.constant 0 : i32
      %dma_wait3A_460 = tpu.memref_slice %arg6[%dma_wait3A_459] : memref<4x!tpu.dma_semaphore, #tpu.memory_space<semaphore_mem>> -> memref<1x!tpu.dma_semaphore, #tpu.memory_space<semaphore_mem>>
      %dma_wait3A_461 = tpu.memref_squeeze %dma_wait3A_460 : memref<1x!tpu.dma_semaphore, #tpu.memory_space<semaphore_mem>> -> memref<!tpu.dma_semaphore, #tpu.memory_space<semaphore_mem>>
      %dma_wait3A_462 = arith.constant 0 : i32
      %dma_wait3A_463 = tpu.memref_slice %arg3[%add3A_457, %dma_wait3A_462] : memref<8192x1024xf32, #tpu.memory_space<hbm>> -> memref<256x1024xf32, #tpu.memory_space<hbm>>
      %dma_wait3A_464 = arith.constant 0 : i32
      %dma_wait3A_465 = arith.constant 0 : i32
      %dma_wait3A_466 = tpu.memref_slice %arg4[%dma_wait3A_458, %dma_wait3A_464, %dma_wait3A_465] : memref<4x256x1024xf32, #tpu.memory_space<vmem_shared>> -> memref<1x256x1024xf32, #tpu.memory_space<vmem_shared>>
      %dma_wait3A_467 = tpu.memref_squeeze %dma_wait3A_466 : memref<1x256x1024xf32, #tpu.memory_space<vmem_shared>> -> memref<256x1024xf32, #tpu.memory_space<vmem_shared>>
      tpu.wait_dma2 semaphore(%dma_wait3A_461 : memref<!tpu.dma_semaphore, #tpu.memory_space<semaphore_mem>>) src(%dma_wait3A_467 : memref<256x1024xf32, #tpu.memory_space<vmem_shared>>) dst(%dma_wait3A_463 : memref<256x1024xf32, #tpu.memory_space<hbm>>)
      %add3A_468 = arith.constant 3072 : i32
      %add3A_469 = arith.addi %mul3A_0, %add3A_468 : i32
      %dma_start3A_470 = arith.constant 0 : i32
      %dma_start3A_471 = arith.constant 0 : i32
      %dma_start3A_472 = tpu.memref_slice %arg5[%dma_start3A_471] : memref<4x!tpu.dma_semaphore, #tpu.memory_space<semaphore_mem>> -> memref<1x!tpu.dma_semaphore, #tpu.memory_space<semaphore_mem>>
      %dma_start3A_473 = tpu.memref_squeeze %dma_start3A_472 : memref<1x!tpu.dma_semaphore, #tpu.memory_space<semaphore_mem>> -> memref<!tpu.dma_semaphore, #tpu.memory_space<semaphore_mem>>
      %dma_start3A_474 = arith.constant 0 : i32
      %dma_start3A_475 = arith.constant 0 : i32
      %dma_start3A_476 = tpu.memref_slice %arg4[%dma_start3A_470, %dma_start3A_474, %dma_start3A_475] : memref<4x256x1024xf32, #tpu.memory_space<vmem_shared>> -> memref<1x256x1024xf32, #tpu.memory_space<vmem_shared>>
      %dma_start3A_477 = tpu.memref_squeeze %dma_start3A_476 : memref<1x256x1024xf32, #tpu.memory_space<vmem_shared>> -> memref<256x1024xf32, #tpu.memory_space<vmem_shared>>
      %dma_start3A_478 = arith.constant 0 : i32
      %dma_start3A_479 = tpu.memref_slice %arg2[%add3A_469, %dma_start3A_478] : memref<8192x1024xf32, #tpu.memory_space<hbm>> -> memref<256x1024xf32, #tpu.memory_space<hbm>>
      tpu.enqueue_dma source(%dma_start3A_479 : memref<256x1024xf32, #tpu.memory_space<hbm>>) target(%dma_start3A_477 : memref<256x1024xf32, #tpu.memory_space<vmem_shared>>) target_semaphore(%dma_start3A_473 : memref<!tpu.dma_semaphore, #tpu.memory_space<semaphore_mem>>)
      %add3A_480 = arith.constant 2304 : i32
      %add3A_481 = arith.addi %mul3A_0, %add3A_480 : i32
      %dma_wait3A_482 = arith.constant 1 : i32
      %dma_wait3A_483 = arith.constant 1 : i32
      %dma_wait3A_484 = tpu.memref_slice %arg5[%dma_wait3A_483] : memref<4x!tpu.dma_semaphore, #tpu.memory_space<semaphore_mem>> -> memref<1x!tpu.dma_semaphore, #tpu.memory_space<semaphore_mem>>
      %dma_wait3A_485 = tpu.memref_squeeze %dma_wait3A_484 : memref<1x!tpu.dma_semaphore, #tpu.memory_space<semaphore_mem>> -> memref<!tpu.dma_semaphore, #tpu.memory_space<semaphore_mem>>
      %dma_wait3A_486 = arith.constant 0 : i32
      %dma_wait3A_487 = arith.constant 0 : i32
      %dma_wait3A_488 = tpu.memref_slice %arg4[%dma_wait3A_482, %dma_wait3A_486, %dma_wait3A_487] : memref<4x256x1024xf32, #tpu.memory_space<vmem_shared>> -> memref<1x256x1024xf32, #tpu.memory_space<vmem_shared>>
      %dma_wait3A_489 = tpu.memref_squeeze %dma_wait3A_488 : memref<1x256x1024xf32, #tpu.memory_space<vmem_shared>> -> memref<256x1024xf32, #tpu.memory_space<vmem_shared>>
      %dma_wait3A_490 = arith.constant 0 : i32
      %dma_wait3A_491 = tpu.memref_slice %arg2[%add3A_481, %dma_wait3A_490] : memref<8192x1024xf32, #tpu.memory_space<hbm>> -> memref<256x1024xf32, #tpu.memory_space<hbm>>
      tpu.wait_dma2 semaphore(%dma_wait3A_485 : memref<!tpu.dma_semaphore, #tpu.memory_space<semaphore_mem>>) src(%dma_wait3A_491 : memref<256x1024xf32, #tpu.memory_space<hbm>>) dst(%dma_wait3A_489 : memref<256x1024xf32, #tpu.memory_space<vmem_shared>>)
      %add3A_492 = arith.constant 2304 : i32
      %add3A_493 = arith.addi %mul3A_0, %add3A_492 : i32
      %dma_start3A_494 = arith.constant 1 : i32
      %dma_start3A_495 = arith.constant 1 : i32
      %dma_start3A_496 = tpu.memref_slice %arg6[%dma_start3A_495] : memref<4x!tpu.dma_semaphore, #tpu.memory_space<semaphore_mem>> -> memref<1x!tpu.dma_semaphore, #tpu.memory_space<semaphore_mem>>
      %dma_start3A_497 = tpu.memref_squeeze %dma_start3A_496 : memref<1x!tpu.dma_semaphore, #tpu.memory_space<semaphore_mem>> -> memref<!tpu.dma_semaphore, #tpu.memory_space<semaphore_mem>>
      %dma_start3A_498 = arith.constant 0 : i32
      %dma_start3A_499 = tpu.memref_slice %arg3[%add3A_493, %dma_start3A_498] : memref<8192x1024xf32, #tpu.memory_space<hbm>> -> memref<256x1024xf32, #tpu.memory_space<hbm>>
      %dma_start3A_500 = arith.constant 0 : i32
      %dma_start3A_501 = arith.constant 0 : i32
      %dma_start3A_502 = tpu.memref_slice %arg4[%dma_start3A_494, %dma_start3A_500, %dma_start3A_501] : memref<4x256x1024xf32, #tpu.memory_space<vmem_shared>> -> memref<1x256x1024xf32, #tpu.memory_space<vmem_shared>>
      %dma_start3A_503 = tpu.memref_squeeze %dma_start3A_502 : memref<1x256x1024xf32, #tpu.memory_space<vmem_shared>> -> memref<256x1024xf32, #tpu.memory_space<vmem_shared>>
      tpu.enqueue_dma source(%dma_start3A_503 : memref<256x1024xf32, #tpu.memory_space<vmem_shared>>) target(%dma_start3A_499 : memref<256x1024xf32, #tpu.memory_space<hbm>>) target_semaphore(%dma_start3A_497 : memref<!tpu.dma_semaphore, #tpu.memory_space<semaphore_mem>>)
      %add3A_504 = arith.constant 2304 : i32
      %add3A_505 = arith.addi %mul3A_0, %add3A_504 : i32
      %dma_wait3A_506 = arith.constant 1 : i32
      %dma_wait3A_507 = arith.constant 1 : i32
      %dma_wait3A_508 = tpu.memref_slice %arg6[%dma_wait3A_507] : memref<4x!tpu.dma_semaphore, #tpu.memory_space<semaphore_mem>> -> memref<1x!tpu.dma_semaphore, #tpu.memory_space<semaphore_mem>>
      %dma_wait3A_509 = tpu.memref_squeeze %dma_wait3A_508 : memref<1x!tpu.dma_semaphore, #tpu.memory_space<semaphore_mem>> -> memref<!tpu.dma_semaphore, #tpu.memory_space<semaphore_mem>>
      %dma_wait3A_510 = arith.constant 0 : i32
      %dma_wait3A_511 = tpu.memref_slice %arg3[%add3A_505, %dma_wait3A_510] : memref<8192x1024xf32, #tpu.memory_space<hbm>> -> memref<256x1024xf32, #tpu.memory_space<hbm>>
      %dma_wait3A_512 = arith.constant 0 : i32
      %dma_wait3A_513 = arith.constant 0 : i32
      %dma_wait3A_514 = tpu.memref_slice %arg4[%dma_wait3A_506, %dma_wait3A_512, %dma_wait3A_513] : memref<4x256x1024xf32, #tpu.memory_space<vmem_shared>> -> memref<1x256x1024xf32, #tpu.memory_space<vmem_shared>>
      %dma_wait3A_515 = tpu.memref_squeeze %dma_wait3A_514 : memref<1x256x1024xf32, #tpu.memory_space<vmem_shared>> -> memref<256x1024xf32, #tpu.memory_space<vmem_shared>>
      tpu.wait_dma2 semaphore(%dma_wait3A_509 : memref<!tpu.dma_semaphore, #tpu.memory_space<semaphore_mem>>) src(%dma_wait3A_515 : memref<256x1024xf32, #tpu.memory_space<vmem_shared>>) dst(%dma_wait3A_511 : memref<256x1024xf32, #tpu.memory_space<hbm>>)
      %add3A_516 = arith.constant 3328 : i32
      %add3A_517 = arith.addi %mul3A_0, %add3A_516 : i32
      %dma_start3A_518 = arith.constant 1 : i32
      %dma_start3A_519 = arith.constant 1 : i32
      %dma_start3A_520 = tpu.memref_slice %arg5[%dma_start3A_519] : memref<4x!tpu.dma_semaphore, #tpu.memory_space<semaphore_mem>> -> memref<1x!tpu.dma_semaphore, #tpu.memory_space<semaphore_mem>>
      %dma_start3A_521 = tpu.memref_squeeze %dma_start3A_520 : memref<1x!tpu.dma_semaphore, #tpu.memory_space<semaphore_mem>> -> memref<!tpu.dma_semaphore, #tpu.memory_space<semaphore_mem>>
      %dma_start3A_522 = arith.constant 0 : i32
      %dma_start3A_523 = arith.constant 0 : i32
      %dma_start3A_524 = tpu.memref_slice %arg4[%dma_start3A_518, %dma_start3A_522, %dma_start3A_523] : memref<4x256x1024xf32, #tpu.memory_space<vmem_shared>> -> memref<1x256x1024xf32, #tpu.memory_space<vmem_shared>>
      %dma_start3A_525 = tpu.memref_squeeze %dma_start3A_524 : memref<1x256x1024xf32, #tpu.memory_space<vmem_shared>> -> memref<256x1024xf32, #tpu.memory_space<vmem_shared>>
      %dma_start3A_526 = arith.constant 0 : i32
      %dma_start3A_527 = tpu.memref_slice %arg2[%add3A_517, %dma_start3A_526] : memref<8192x1024xf32, #tpu.memory_space<hbm>> -> memref<256x1024xf32, #tpu.memory_space<hbm>>
      tpu.enqueue_dma source(%dma_start3A_527 : memref<256x1024xf32, #tpu.memory_space<hbm>>) target(%dma_start3A_525 : memref<256x1024xf32, #tpu.memory_space<vmem_shared>>) target_semaphore(%dma_start3A_521 : memref<!tpu.dma_semaphore, #tpu.memory_space<semaphore_mem>>)
      %add3A_528 = arith.constant 2560 : i32
      %add3A_529 = arith.addi %mul3A_0, %add3A_528 : i32
      %dma_wait3A_530 = arith.constant 2 : i32
      %dma_wait3A_531 = arith.constant 2 : i32
      %dma_wait3A_532 = tpu.memref_slice %arg5[%dma_wait3A_531] : memref<4x!tpu.dma_semaphore, #tpu.memory_space<semaphore_mem>> -> memref<1x!tpu.dma_semaphore, #tpu.memory_space<semaphore_mem>>
      %dma_wait3A_533 = tpu.memref_squeeze %dma_wait3A_532 : memref<1x!tpu.dma_semaphore, #tpu.memory_space<semaphore_mem>> -> memref<!tpu.dma_semaphore, #tpu.memory_space<semaphore_mem>>
      %dma_wait3A_534 = arith.constant 0 : i32
      %dma_wait3A_535 = arith.constant 0 : i32
      %dma_wait3A_536 = tpu.memref_slice %arg4[%dma_wait3A_530, %dma_wait3A_534, %dma_wait3A_535] : memref<4x256x1024xf32, #tpu.memory_space<vmem_shared>> -> memref<1x256x1024xf32, #tpu.memory_space<vmem_shared>>
      %dma_wait3A_537 = tpu.memref_squeeze %dma_wait3A_536 : memref<1x256x1024xf32, #tpu.memory_space<vmem_shared>> -> memref<256x1024xf32, #tpu.memory_space<vmem_shared>>
      %dma_wait3A_538 = arith.constant 0 : i32
      %dma_wait3A_539 = tpu.memref_slice %arg2[%add3A_529, %dma_wait3A_538] : memref<8192x1024xf32, #tpu.memory_space<hbm>> -> memref<256x1024xf32, #tpu.memory_space<hbm>>
      tpu.wait_dma2 semaphore(%dma_wait3A_533 : memref<!tpu.dma_semaphore, #tpu.memory_space<semaphore_mem>>) src(%dma_wait3A_539 : memref<256x1024xf32, #tpu.memory_space<hbm>>) dst(%dma_wait3A_537 : memref<256x1024xf32, #tpu.memory_space<vmem_shared>>)
      %add3A_540 = arith.constant 2560 : i32
      %add3A_541 = arith.addi %mul3A_0, %add3A_540 : i32
      %dma_start3A_542 = arith.constant 2 : i32
      %dma_start3A_543 = arith.constant 2 : i32
      %dma_start3A_544 = tpu.memref_slice %arg6[%dma_start3A_543] : memref<4x!tpu.dma_semaphore, #tpu.memory_space<semaphore_mem>> -> memref<1x!tpu.dma_semaphore, #tpu.memory_space<semaphore_mem>>
      %dma_start3A_545 = tpu.memref_squeeze %dma_start3A_544 : memref<1x!tpu.dma_semaphore, #tpu.memory_space<semaphore_mem>> -> memref<!tpu.dma_semaphore, #tpu.memory_space<semaphore_mem>>
      %dma_start3A_546 = arith.constant 0 : i32
      %dma_start3A_547 = tpu.memref_slice %arg3[%add3A_541, %dma_start3A_546] : memref<8192x1024xf32, #tpu.memory_space<hbm>> -> memref<256x1024xf32, #tpu.memory_space<hbm>>
      %dma_start3A_548 = arith.constant 0 : i32
      %dma_start3A_549 = arith.constant 0 : i32
      %dma_start3A_550 = tpu.memref_slice %arg4[%dma_start3A_542, %dma_start3A_548, %dma_start3A_549] : memref<4x256x1024xf32, #tpu.memory_space<vmem_shared>> -> memref<1x256x1024xf32, #tpu.memory_space<vmem_shared>>
      %dma_start3A_551 = tpu.memref_squeeze %dma_start3A_550 : memref<1x256x1024xf32, #tpu.memory_space<vmem_shared>> -> memref<256x1024xf32, #tpu.memory_space<vmem_shared>>
      tpu.enqueue_dma source(%dma_start3A_551 : memref<256x1024xf32, #tpu.memory_space<vmem_shared>>) target(%dma_start3A_547 : memref<256x1024xf32, #tpu.memory_space<hbm>>) target_semaphore(%dma_start3A_545 : memref<!tpu.dma_semaphore, #tpu.memory_space<semaphore_mem>>)
      %add3A_552 = arith.constant 2560 : i32
      %add3A_553 = arith.addi %mul3A_0, %add3A_552 : i32
      %dma_wait3A_554 = arith.constant 2 : i32
      %dma_wait3A_555 = arith.constant 2 : i32
      %dma_wait3A_556 = tpu.memref_slice %arg6[%dma_wait3A_555] : memref<4x!tpu.dma_semaphore, #tpu.memory_space<semaphore_mem>> -> memref<1x!tpu.dma_semaphore, #tpu.memory_space<semaphore_mem>>
      %dma_wait3A_557 = tpu.memref_squeeze %dma_wait3A_556 : memref<1x!tpu.dma_semaphore, #tpu.memory_space<semaphore_mem>> -> memref<!tpu.dma_semaphore, #tpu.memory_space<semaphore_mem>>
      %dma_wait3A_558 = arith.constant 0 : i32
      %dma_wait3A_559 = tpu.memref_slice %arg3[%add3A_553, %dma_wait3A_558] : memref<8192x1024xf32, #tpu.memory_space<hbm>> -> memref<256x1024xf32, #tpu.memory_space<hbm>>
      %dma_wait3A_560 = arith.constant 0 : i32
      %dma_wait3A_561 = arith.constant 0 : i32
      %dma_wait3A_562 = tpu.memref_slice %arg4[%dma_wait3A_554, %dma_wait3A_560, %dma_wait3A_561] : memref<4x256x1024xf32, #tpu.memory_space<vmem_shared>> -> memref<1x256x1024xf32, #tpu.memory_space<vmem_shared>>
      %dma_wait3A_563 = tpu.memref_squeeze %dma_wait3A_562 : memref<1x256x1024xf32, #tpu.memory_space<vmem_shared>> -> memref<256x1024xf32, #tpu.memory_space<vmem_shared>>
      tpu.wait_dma2 semaphore(%dma_wait3A_557 : memref<!tpu.dma_semaphore, #tpu.memory_space<semaphore_mem>>) src(%dma_wait3A_563 : memref<256x1024xf32, #tpu.memory_space<vmem_shared>>) dst(%dma_wait3A_559 : memref<256x1024xf32, #tpu.memory_space<hbm>>)
      %add3A_564 = arith.constant 3584 : i32
      %add3A_565 = arith.addi %mul3A_0, %add3A_564 : i32
      %dma_start3A_566 = arith.constant 2 : i32
      %dma_start3A_567 = arith.constant 2 : i32
      %dma_start3A_568 = tpu.memref_slice %arg5[%dma_start3A_567] : memref<4x!tpu.dma_semaphore, #tpu.memory_space<semaphore_mem>> -> memref<1x!tpu.dma_semaphore, #tpu.memory_space<semaphore_mem>>
      %dma_start3A_569 = tpu.memref_squeeze %dma_start3A_568 : memref<1x!tpu.dma_semaphore, #tpu.memory_space<semaphore_mem>> -> memref<!tpu.dma_semaphore, #tpu.memory_space<semaphore_mem>>
      %dma_start3A_570 = arith.constant 0 : i32
      %dma_start3A_571 = arith.constant 0 : i32
      %dma_start3A_572 = tpu.memref_slice %arg4[%dma_start3A_566, %dma_start3A_570, %dma_start3A_571] : memref<4x256x1024xf32, #tpu.memory_space<vmem_shared>> -> memref<1x256x1024xf32, #tpu.memory_space<vmem_shared>>
      %dma_start3A_573 = tpu.memref_squeeze %dma_start3A_572 : memref<1x256x1024xf32, #tpu.memory_space<vmem_shared>> -> memref<256x1024xf32, #tpu.memory_space<vmem_shared>>
      %dma_start3A_574 = arith.constant 0 : i32
      %dma_start3A_575 = tpu.memref_slice %arg2[%add3A_565, %dma_start3A_574] : memref<8192x1024xf32, #tpu.memory_space<hbm>> -> memref<256x1024xf32, #tpu.memory_space<hbm>>
      tpu.enqueue_dma source(%dma_start3A_575 : memref<256x1024xf32, #tpu.memory_space<hbm>>) target(%dma_start3A_573 : memref<256x1024xf32, #tpu.memory_space<vmem_shared>>) target_semaphore(%dma_start3A_569 : memref<!tpu.dma_semaphore, #tpu.memory_space<semaphore_mem>>)
      %add3A_576 = arith.constant 2816 : i32
      %add3A_577 = arith.addi %mul3A_0, %add3A_576 : i32
      %dma_wait3A_578 = arith.constant 3 : i32
      %dma_wait3A_579 = arith.constant 3 : i32
      %dma_wait3A_580 = tpu.memref_slice %arg5[%dma_wait3A_579] : memref<4x!tpu.dma_semaphore, #tpu.memory_space<semaphore_mem>> -> memref<1x!tpu.dma_semaphore, #tpu.memory_space<semaphore_mem>>
      %dma_wait3A_581 = tpu.memref_squeeze %dma_wait3A_580 : memref<1x!tpu.dma_semaphore, #tpu.memory_space<semaphore_mem>> -> memref<!tpu.dma_semaphore, #tpu.memory_space<semaphore_mem>>
      %dma_wait3A_582 = arith.constant 0 : i32
      %dma_wait3A_583 = arith.constant 0 : i32
      %dma_wait3A_584 = tpu.memref_slice %arg4[%dma_wait3A_578, %dma_wait3A_582, %dma_wait3A_583] : memref<4x256x1024xf32, #tpu.memory_space<vmem_shared>> -> memref<1x256x1024xf32, #tpu.memory_space<vmem_shared>>
      %dma_wait3A_585 = tpu.memref_squeeze %dma_wait3A_584 : memref<1x256x1024xf32, #tpu.memory_space<vmem_shared>> -> memref<256x1024xf32, #tpu.memory_space<vmem_shared>>
      %dma_wait3A_586 = arith.constant 0 : i32
      %dma_wait3A_587 = tpu.memref_slice %arg2[%add3A_577, %dma_wait3A_586] : memref<8192x1024xf32, #tpu.memory_space<hbm>> -> memref<256x1024xf32, #tpu.memory_space<hbm>>
      tpu.wait_dma2 semaphore(%dma_wait3A_581 : memref<!tpu.dma_semaphore, #tpu.memory_space<semaphore_mem>>) src(%dma_wait3A_587 : memref<256x1024xf32, #tpu.memory_space<hbm>>) dst(%dma_wait3A_585 : memref<256x1024xf32, #tpu.memory_space<vmem_shared>>)
      %add3A_588 = arith.constant 2816 : i32
      %add3A_589 = arith.addi %mul3A_0, %add3A_588 : i32
      %dma_start3A_590 = arith.constant 3 : i32
      %dma_start3A_591 = arith.constant 3 : i32
      %dma_start3A_592 = tpu.memref_slice %arg6[%dma_start3A_591] : memref<4x!tpu.dma_semaphore, #tpu.memory_space<semaphore_mem>> -> memref<1x!tpu.dma_semaphore, #tpu.memory_space<semaphore_mem>>
      %dma_start3A_593 = tpu.memref_squeeze %dma_start3A_592 : memref<1x!tpu.dma_semaphore, #tpu.memory_space<semaphore_mem>> -> memref<!tpu.dma_semaphore, #tpu.memory_space<semaphore_mem>>
      %dma_start3A_594 = arith.constant 0 : i32
      %dma_start3A_595 = tpu.memref_slice %arg3[%add3A_589, %dma_start3A_594] : memref<8192x1024xf32, #tpu.memory_space<hbm>> -> memref<256x1024xf32, #tpu.memory_space<hbm>>
      %dma_start3A_596 = arith.constant 0 : i32
      %dma_start3A_597 = arith.constant 0 : i32
      %dma_start3A_598 = tpu.memref_slice %arg4[%dma_start3A_590, %dma_start3A_596, %dma_start3A_597] : memref<4x256x1024xf32, #tpu.memory_space<vmem_shared>> -> memref<1x256x1024xf32, #tpu.memory_space<vmem_shared>>
      %dma_start3A_599 = tpu.memref_squeeze %dma_start3A_598 : memref<1x256x1024xf32, #tpu.memory_space<vmem_shared>> -> memref<256x1024xf32, #tpu.memory_space<vmem_shared>>
      tpu.enqueue_dma source(%dma_start3A_599 : memref<256x1024xf32, #tpu.memory_space<vmem_shared>>) target(%dma_start3A_595 : memref<256x1024xf32, #tpu.memory_space<hbm>>) target_semaphore(%dma_start3A_593 : memref<!tpu.dma_semaphore, #tpu.memory_space<semaphore_mem>>)
      %add3A_600 = arith.constant 2816 : i32
      %add3A_601 = arith.addi %mul3A_0, %add3A_600 : i32
      %dma_wait3A_602 = arith.constant 3 : i32
      %dma_wait3A_603 = arith.constant 3 : i32
      %dma_wait3A_604 = tpu.memref_slice %arg6[%dma_wait3A_603] : memref<4x!tpu.dma_semaphore, #tpu.memory_space<semaphore_mem>> -> memref<1x!tpu.dma_semaphore, #tpu.memory_space<semaphore_mem>>
      %dma_wait3A_605 = tpu.memref_squeeze %dma_wait3A_604 : memref<1x!tpu.dma_semaphore, #tpu.memory_space<semaphore_mem>> -> memref<!tpu.dma_semaphore, #tpu.memory_space<semaphore_mem>>
      %dma_wait3A_606 = arith.constant 0 : i32
      %dma_wait3A_607 = tpu.memref_slice %arg3[%add3A_601, %dma_wait3A_606] : memref<8192x1024xf32, #tpu.memory_space<hbm>> -> memref<256x1024xf32, #tpu.memory_space<hbm>>
      %dma_wait3A_608 = arith.constant 0 : i32
      %dma_wait3A_609 = arith.constant 0 : i32
      %dma_wait3A_610 = tpu.memref_slice %arg4[%dma_wait3A_602, %dma_wait3A_608, %dma_wait3A_609] : memref<4x256x1024xf32, #tpu.memory_space<vmem_shared>> -> memref<1x256x1024xf32, #tpu.memory_space<vmem_shared>>
      %dma_wait3A_611 = tpu.memref_squeeze %dma_wait3A_610 : memref<1x256x1024xf32, #tpu.memory_space<vmem_shared>> -> memref<256x1024xf32, #tpu.memory_space<vmem_shared>>
      tpu.wait_dma2 semaphore(%dma_wait3A_605 : memref<!tpu.dma_semaphore, #tpu.memory_space<semaphore_mem>>) src(%dma_wait3A_611 : memref<256x1024xf32, #tpu.memory_space<vmem_shared>>) dst(%dma_wait3A_607 : memref<256x1024xf32, #tpu.memory_space<hbm>>)
      %add3A_612 = arith.constant 3840 : i32
      %add3A_613 = arith.addi %mul3A_0, %add3A_612 : i32
      %dma_start3A_614 = arith.constant 3 : i32
      %dma_start3A_615 = arith.constant 3 : i32
      %dma_start3A_616 = tpu.memref_slice %arg5[%dma_start3A_615] : memref<4x!tpu.dma_semaphore, #tpu.memory_space<semaphore_mem>> -> memref<1x!tpu.dma_semaphore, #tpu.memory_space<semaphore_mem>>
      %dma_start3A_617 = tpu.memref_squeeze %dma_start3A_616 : memref<1x!tpu.dma_semaphore, #tpu.memory_space<semaphore_mem>> -> memref<!tpu.dma_semaphore, #tpu.memory_space<semaphore_mem>>
      %dma_start3A_618 = arith.constant 0 : i32
      %dma_start3A_619 = arith.constant 0 : i32
      %dma_start3A_620 = tpu.memref_slice %arg4[%dma_start3A_614, %dma_start3A_618, %dma_start3A_619] : memref<4x256x1024xf32, #tpu.memory_space<vmem_shared>> -> memref<1x256x1024xf32, #tpu.memory_space<vmem_shared>>
      %dma_start3A_621 = tpu.memref_squeeze %dma_start3A_620 : memref<1x256x1024xf32, #tpu.memory_space<vmem_shared>> -> memref<256x1024xf32, #tpu.memory_space<vmem_shared>>
      %dma_start3A_622 = arith.constant 0 : i32
      %dma_start3A_623 = tpu.memref_slice %arg2[%add3A_613, %dma_start3A_622] : memref<8192x1024xf32, #tpu.memory_space<hbm>> -> memref<256x1024xf32, #tpu.memory_space<hbm>>
      tpu.enqueue_dma source(%dma_start3A_623 : memref<256x1024xf32, #tpu.memory_space<hbm>>) target(%dma_start3A_621 : memref<256x1024xf32, #tpu.memory_space<vmem_shared>>) target_semaphore(%dma_start3A_617 : memref<!tpu.dma_semaphore, #tpu.memory_space<semaphore_mem>>)
      %add3A_624 = arith.constant 3072 : i32
      %add3A_625 = arith.addi %mul3A_0, %add3A_624 : i32
      %dma_wait3A_626 = arith.constant 0 : i32
      %dma_wait3A_627 = arith.constant 0 : i32
      %dma_wait3A_628 = tpu.memref_slice %arg5[%dma_wait3A_627] : memref<4x!tpu.dma_semaphore, #tpu.memory_space<semaphore_mem>> -> memref<1x!tpu.dma_semaphore, #tpu.memory_space<semaphore_mem>>
      %dma_wait3A_629 = tpu.memref_squeeze %dma_wait3A_628 : memref<1x!tpu.dma_semaphore, #tpu.memory_space<semaphore_mem>> -> memref<!tpu.dma_semaphore, #tpu.memory_space<semaphore_mem>>
      %dma_wait3A_630 = arith.constant 0 : i32
      %dma_wait3A_631 = arith.constant 0 : i32
      %dma_wait3A_632 = tpu.memref_slice %arg4[%dma_wait3A_626, %dma_wait3A_630, %dma_wait3A_631] : memref<4x256x1024xf32, #tpu.memory_space<vmem_shared>> -> memref<1x256x1024xf32, #tpu.memory_space<vmem_shared>>
      %dma_wait3A_633 = tpu.memref_squeeze %dma_wait3A_632 : memref<1x256x1024xf32, #tpu.memory_space<vmem_shared>> -> memref<256x1024xf32, #tpu.memory_space<vmem_shared>>
      %dma_wait3A_634 = arith.constant 0 : i32
      %dma_wait3A_635 = tpu.memref_slice %arg2[%add3A_625, %dma_wait3A_634] : memref<8192x1024xf32, #tpu.memory_space<hbm>> -> memref<256x1024xf32, #tpu.memory_space<hbm>>
      tpu.wait_dma2 semaphore(%dma_wait3A_629 : memref<!tpu.dma_semaphore, #tpu.memory_space<semaphore_mem>>) src(%dma_wait3A_635 : memref<256x1024xf32, #tpu.memory_space<hbm>>) dst(%dma_wait3A_633 : memref<256x1024xf32, #tpu.memory_space<vmem_shared>>)
      %add3A_636 = arith.constant 3072 : i32
      %add3A_637 = arith.addi %mul3A_0, %add3A_636 : i32
      %dma_start3A_638 = arith.constant 0 : i32
      %dma_start3A_639 = arith.constant 0 : i32
      %dma_start3A_640 = tpu.memref_slice %arg6[%dma_start3A_639] : memref<4x!tpu.dma_semaphore, #tpu.memory_space<semaphore_mem>> -> memref<1x!tpu.dma_semaphore, #tpu.memory_space<semaphore_mem>>
      %dma_start3A_641 = tpu.memref_squeeze %dma_start3A_640 : memref<1x!tpu.dma_semaphore, #tpu.memory_space<semaphore_mem>> -> memref<!tpu.dma_semaphore, #tpu.memory_space<semaphore_mem>>
      %dma_start3A_642 = arith.constant 0 : i32
      %dma_start3A_643 = tpu.memref_slice %arg3[%add3A_637, %dma_start3A_642] : memref<8192x1024xf32, #tpu.memory_space<hbm>> -> memref<256x1024xf32, #tpu.memory_space<hbm>>
      %dma_start3A_644 = arith.constant 0 : i32
      %dma_start3A_645 = arith.constant 0 : i32
      %dma_start3A_646 = tpu.memref_slice %arg4[%dma_start3A_638, %dma_start3A_644, %dma_start3A_645] : memref<4x256x1024xf32, #tpu.memory_space<vmem_shared>> -> memref<1x256x1024xf32, #tpu.memory_space<vmem_shared>>
      %dma_start3A_647 = tpu.memref_squeeze %dma_start3A_646 : memref<1x256x1024xf32, #tpu.memory_space<vmem_shared>> -> memref<256x1024xf32, #tpu.memory_space<vmem_shared>>
      tpu.enqueue_dma source(%dma_start3A_647 : memref<256x1024xf32, #tpu.memory_space<vmem_shared>>) target(%dma_start3A_643 : memref<256x1024xf32, #tpu.memory_space<hbm>>) target_semaphore(%dma_start3A_641 : memref<!tpu.dma_semaphore, #tpu.memory_space<semaphore_mem>>)
      %add3A_648 = arith.constant 3328 : i32
      %add3A_649 = arith.addi %mul3A_0, %add3A_648 : i32
      %dma_wait3A_650 = arith.constant 1 : i32
      %dma_wait3A_651 = arith.constant 1 : i32
      %dma_wait3A_652 = tpu.memref_slice %arg5[%dma_wait3A_651] : memref<4x!tpu.dma_semaphore, #tpu.memory_space<semaphore_mem>> -> memref<1x!tpu.dma_semaphore, #tpu.memory_space<semaphore_mem>>
      %dma_wait3A_653 = tpu.memref_squeeze %dma_wait3A_652 : memref<1x!tpu.dma_semaphore, #tpu.memory_space<semaphore_mem>> -> memref<!tpu.dma_semaphore, #tpu.memory_space<semaphore_mem>>
      %dma_wait3A_654 = arith.constant 0 : i32
      %dma_wait3A_655 = arith.constant 0 : i32
      %dma_wait3A_656 = tpu.memref_slice %arg4[%dma_wait3A_650, %dma_wait3A_654, %dma_wait3A_655] : memref<4x256x1024xf32, #tpu.memory_space<vmem_shared>> -> memref<1x256x1024xf32, #tpu.memory_space<vmem_shared>>
      %dma_wait3A_657 = tpu.memref_squeeze %dma_wait3A_656 : memref<1x256x1024xf32, #tpu.memory_space<vmem_shared>> -> memref<256x1024xf32, #tpu.memory_space<vmem_shared>>
      %dma_wait3A_658 = arith.constant 0 : i32
      %dma_wait3A_659 = tpu.memref_slice %arg2[%add3A_649, %dma_wait3A_658] : memref<8192x1024xf32, #tpu.memory_space<hbm>> -> memref<256x1024xf32, #tpu.memory_space<hbm>>
      tpu.wait_dma2 semaphore(%dma_wait3A_653 : memref<!tpu.dma_semaphore, #tpu.memory_space<semaphore_mem>>) src(%dma_wait3A_659 : memref<256x1024xf32, #tpu.memory_space<hbm>>) dst(%dma_wait3A_657 : memref<256x1024xf32, #tpu.memory_space<vmem_shared>>)
      %add3A_660 = arith.constant 3328 : i32
      %add3A_661 = arith.addi %mul3A_0, %add3A_660 : i32
      %dma_start3A_662 = arith.constant 1 : i32
      %dma_start3A_663 = arith.constant 1 : i32
      %dma_start3A_664 = tpu.memref_slice %arg6[%dma_start3A_663] : memref<4x!tpu.dma_semaphore, #tpu.memory_space<semaphore_mem>> -> memref<1x!tpu.dma_semaphore, #tpu.memory_space<semaphore_mem>>
      %dma_start3A_665 = tpu.memref_squeeze %dma_start3A_664 : memref<1x!tpu.dma_semaphore, #tpu.memory_space<semaphore_mem>> -> memref<!tpu.dma_semaphore, #tpu.memory_space<semaphore_mem>>
      %dma_start3A_666 = arith.constant 0 : i32
      %dma_start3A_667 = tpu.memref_slice %arg3[%add3A_661, %dma_start3A_666] : memref<8192x1024xf32, #tpu.memory_space<hbm>> -> memref<256x1024xf32, #tpu.memory_space<hbm>>
      %dma_start3A_668 = arith.constant 0 : i32
      %dma_start3A_669 = arith.constant 0 : i32
      %dma_start3A_670 = tpu.memref_slice %arg4[%dma_start3A_662, %dma_start3A_668, %dma_start3A_669] : memref<4x256x1024xf32, #tpu.memory_space<vmem_shared>> -> memref<1x256x1024xf32, #tpu.memory_space<vmem_shared>>
      %dma_start3A_671 = tpu.memref_squeeze %dma_start3A_670 : memref<1x256x1024xf32, #tpu.memory_space<vmem_shared>> -> memref<256x1024xf32, #tpu.memory_space<vmem_shared>>
      tpu.enqueue_dma source(%dma_start3A_671 : memref<256x1024xf32, #tpu.memory_space<vmem_shared>>) target(%dma_start3A_667 : memref<256x1024xf32, #tpu.memory_space<hbm>>) target_semaphore(%dma_start3A_665 : memref<!tpu.dma_semaphore, #tpu.memory_space<semaphore_mem>>)
      %add3A_672 = arith.constant 3584 : i32
      %add3A_673 = arith.addi %mul3A_0, %add3A_672 : i32
      %dma_wait3A_674 = arith.constant 2 : i32
      %dma_wait3A_675 = arith.constant 2 : i32
      %dma_wait3A_676 = tpu.memref_slice %arg5[%dma_wait3A_675] : memref<4x!tpu.dma_semaphore, #tpu.memory_space<semaphore_mem>> -> memref<1x!tpu.dma_semaphore, #tpu.memory_space<semaphore_mem>>
      %dma_wait3A_677 = tpu.memref_squeeze %dma_wait3A_676 : memref<1x!tpu.dma_semaphore, #tpu.memory_space<semaphore_mem>> -> memref<!tpu.dma_semaphore, #tpu.memory_space<semaphore_mem>>
      %dma_wait3A_678 = arith.constant 0 : i32
      %dma_wait3A_679 = arith.constant 0 : i32
      %dma_wait3A_680 = tpu.memref_slice %arg4[%dma_wait3A_674, %dma_wait3A_678, %dma_wait3A_679] : memref<4x256x1024xf32, #tpu.memory_space<vmem_shared>> -> memref<1x256x1024xf32, #tpu.memory_space<vmem_shared>>
      %dma_wait3A_681 = tpu.memref_squeeze %dma_wait3A_680 : memref<1x256x1024xf32, #tpu.memory_space<vmem_shared>> -> memref<256x1024xf32, #tpu.memory_space<vmem_shared>>
      %dma_wait3A_682 = arith.constant 0 : i32
      %dma_wait3A_683 = tpu.memref_slice %arg2[%add3A_673, %dma_wait3A_682] : memref<8192x1024xf32, #tpu.memory_space<hbm>> -> memref<256x1024xf32, #tpu.memory_space<hbm>>
      tpu.wait_dma2 semaphore(%dma_wait3A_677 : memref<!tpu.dma_semaphore, #tpu.memory_space<semaphore_mem>>) src(%dma_wait3A_683 : memref<256x1024xf32, #tpu.memory_space<hbm>>) dst(%dma_wait3A_681 : memref<256x1024xf32, #tpu.memory_space<vmem_shared>>)
      %add3A_684 = arith.constant 3584 : i32
      %add3A_685 = arith.addi %mul3A_0, %add3A_684 : i32
      %dma_start3A_686 = arith.constant 2 : i32
      %dma_start3A_687 = arith.constant 2 : i32
      %dma_start3A_688 = tpu.memref_slice %arg6[%dma_start3A_687] : memref<4x!tpu.dma_semaphore, #tpu.memory_space<semaphore_mem>> -> memref<1x!tpu.dma_semaphore, #tpu.memory_space<semaphore_mem>>
      %dma_start3A_689 = tpu.memref_squeeze %dma_start3A_688 : memref<1x!tpu.dma_semaphore, #tpu.memory_space<semaphore_mem>> -> memref<!tpu.dma_semaphore, #tpu.memory_space<semaphore_mem>>
      %dma_start3A_690 = arith.constant 0 : i32
      %dma_start3A_691 = tpu.memref_slice %arg3[%add3A_685, %dma_start3A_690] : memref<8192x1024xf32, #tpu.memory_space<hbm>> -> memref<256x1024xf32, #tpu.memory_space<hbm>>
      %dma_start3A_692 = arith.constant 0 : i32
      %dma_start3A_693 = arith.constant 0 : i32
      %dma_start3A_694 = tpu.memref_slice %arg4[%dma_start3A_686, %dma_start3A_692, %dma_start3A_693] : memref<4x256x1024xf32, #tpu.memory_space<vmem_shared>> -> memref<1x256x1024xf32, #tpu.memory_space<vmem_shared>>
      %dma_start3A_695 = tpu.memref_squeeze %dma_start3A_694 : memref<1x256x1024xf32, #tpu.memory_space<vmem_shared>> -> memref<256x1024xf32, #tpu.memory_space<vmem_shared>>
      tpu.enqueue_dma source(%dma_start3A_695 : memref<256x1024xf32, #tpu.memory_space<vmem_shared>>) target(%dma_start3A_691 : memref<256x1024xf32, #tpu.memory_space<hbm>>) target_semaphore(%dma_start3A_689 : memref<!tpu.dma_semaphore, #tpu.memory_space<semaphore_mem>>)
      %add3A_696 = arith.constant 3840 : i32
      %add3A_697 = arith.addi %mul3A_0, %add3A_696 : i32
      %dma_wait3A_698 = arith.constant 3 : i32
      %dma_wait3A_699 = arith.constant 3 : i32
      %dma_wait3A_700 = tpu.memref_slice %arg5[%dma_wait3A_699] : memref<4x!tpu.dma_semaphore, #tpu.memory_space<semaphore_mem>> -> memref<1x!tpu.dma_semaphore, #tpu.memory_space<semaphore_mem>>
      %dma_wait3A_701 = tpu.memref_squeeze %dma_wait3A_700 : memref<1x!tpu.dma_semaphore, #tpu.memory_space<semaphore_mem>> -> memref<!tpu.dma_semaphore, #tpu.memory_space<semaphore_mem>>
      %dma_wait3A_702 = arith.constant 0 : i32
      %dma_wait3A_703 = arith.constant 0 : i32
      %dma_wait3A_704 = tpu.memref_slice %arg4[%dma_wait3A_698, %dma_wait3A_702, %dma_wait3A_703] : memref<4x256x1024xf32, #tpu.memory_space<vmem_shared>> -> memref<1x256x1024xf32, #tpu.memory_space<vmem_shared>>
      %dma_wait3A_705 = tpu.memref_squeeze %dma_wait3A_704 : memref<1x256x1024xf32, #tpu.memory_space<vmem_shared>> -> memref<256x1024xf32, #tpu.memory_space<vmem_shared>>
      %dma_wait3A_706 = arith.constant 0 : i32
      %dma_wait3A_707 = tpu.memref_slice %arg2[%add3A_697, %dma_wait3A_706] : memref<8192x1024xf32, #tpu.memory_space<hbm>> -> memref<256x1024xf32, #tpu.memory_space<hbm>>
      tpu.wait_dma2 semaphore(%dma_wait3A_701 : memref<!tpu.dma_semaphore, #tpu.memory_space<semaphore_mem>>) src(%dma_wait3A_707 : memref<256x1024xf32, #tpu.memory_space<hbm>>) dst(%dma_wait3A_705 : memref<256x1024xf32, #tpu.memory_space<vmem_shared>>)
      %add3A_708 = arith.constant 3840 : i32
      %add3A_709 = arith.addi %mul3A_0, %add3A_708 : i32
      %dma_start3A_710 = arith.constant 3 : i32
      %dma_start3A_711 = arith.constant 3 : i32
      %dma_start3A_712 = tpu.memref_slice %arg6[%dma_start3A_711] : memref<4x!tpu.dma_semaphore, #tpu.memory_space<semaphore_mem>> -> memref<1x!tpu.dma_semaphore, #tpu.memory_space<semaphore_mem>>
      %dma_start3A_713 = tpu.memref_squeeze %dma_start3A_712 : memref<1x!tpu.dma_semaphore, #tpu.memory_space<semaphore_mem>> -> memref<!tpu.dma_semaphore, #tpu.memory_space<semaphore_mem>>
      %dma_start3A_714 = arith.constant 0 : i32
      %dma_start3A_715 = tpu.memref_slice %arg3[%add3A_709, %dma_start3A_714] : memref<8192x1024xf32, #tpu.memory_space<hbm>> -> memref<256x1024xf32, #tpu.memory_space<hbm>>
      %dma_start3A_716 = arith.constant 0 : i32
      %dma_start3A_717 = arith.constant 0 : i32
      %dma_start3A_718 = tpu.memref_slice %arg4[%dma_start3A_710, %dma_start3A_716, %dma_start3A_717] : memref<4x256x1024xf32, #tpu.memory_space<vmem_shared>> -> memref<1x256x1024xf32, #tpu.memory_space<vmem_shared>>
      %dma_start3A_719 = tpu.memref_squeeze %dma_start3A_718 : memref<1x256x1024xf32, #tpu.memory_space<vmem_shared>> -> memref<256x1024xf32, #tpu.memory_space<vmem_shared>>
      tpu.enqueue_dma source(%dma_start3A_719 : memref<256x1024xf32, #tpu.memory_space<vmem_shared>>) target(%dma_start3A_715 : memref<256x1024xf32, #tpu.memory_space<hbm>>) target_semaphore(%dma_start3A_713 : memref<!tpu.dma_semaphore, #tpu.memory_space<semaphore_mem>>)
      %add3A_720 = arith.constant 3072 : i32
      %add3A_721 = arith.addi %mul3A_0, %add3A_720 : i32
      %dma_wait3A_722 = arith.constant 0 : i32
      %dma_wait3A_723 = arith.constant 0 : i32
      %dma_wait3A_724 = tpu.memref_slice %arg6[%dma_wait3A_723] : memref<4x!tpu.dma_semaphore, #tpu.memory_space<semaphore_mem>> -> memref<1x!tpu.dma_semaphore, #tpu.memory_space<semaphore_mem>>
      %dma_wait3A_725 = tpu.memref_squeeze %dma_wait3A_724 : memref<1x!tpu.dma_semaphore, #tpu.memory_space<semaphore_mem>> -> memref<!tpu.dma_semaphore, #tpu.memory_space<semaphore_mem>>
      %dma_wait3A_726 = arith.constant 0 : i32
      %dma_wait3A_727 = tpu.memref_slice %arg3[%add3A_721, %dma_wait3A_726] : memref<8192x1024xf32, #tpu.memory_space<hbm>> -> memref<256x1024xf32, #tpu.memory_space<hbm>>
      %dma_wait3A_728 = arith.constant 0 : i32
      %dma_wait3A_729 = arith.constant 0 : i32
      %dma_wait3A_730 = tpu.memref_slice %arg4[%dma_wait3A_722, %dma_wait3A_728, %dma_wait3A_729] : memref<4x256x1024xf32, #tpu.memory_space<vmem_shared>> -> memref<1x256x1024xf32, #tpu.memory_space<vmem_shared>>
      %dma_wait3A_731 = tpu.memref_squeeze %dma_wait3A_730 : memref<1x256x1024xf32, #tpu.memory_space<vmem_shared>> -> memref<256x1024xf32, #tpu.memory_space<vmem_shared>>
      tpu.wait_dma2 semaphore(%dma_wait3A_725 : memref<!tpu.dma_semaphore, #tpu.memory_space<semaphore_mem>>) src(%dma_wait3A_731 : memref<256x1024xf32, #tpu.memory_space<vmem_shared>>) dst(%dma_wait3A_727 : memref<256x1024xf32, #tpu.memory_space<hbm>>)
      %add3A_732 = arith.constant 3328 : i32
      %add3A_733 = arith.addi %mul3A_0, %add3A_732 : i32
      %dma_wait3A_734 = arith.constant 1 : i32
      %dma_wait3A_735 = arith.constant 1 : i32
      %dma_wait3A_736 = tpu.memref_slice %arg6[%dma_wait3A_735] : memref<4x!tpu.dma_semaphore, #tpu.memory_space<semaphore_mem>> -> memref<1x!tpu.dma_semaphore, #tpu.memory_space<semaphore_mem>>
      %dma_wait3A_737 = tpu.memref_squeeze %dma_wait3A_736 : memref<1x!tpu.dma_semaphore, #tpu.memory_space<semaphore_mem>> -> memref<!tpu.dma_semaphore, #tpu.memory_space<semaphore_mem>>
      %dma_wait3A_738 = arith.constant 0 : i32
      %dma_wait3A_739 = tpu.memref_slice %arg3[%add3A_733, %dma_wait3A_738] : memref<8192x1024xf32, #tpu.memory_space<hbm>> -> memref<256x1024xf32, #tpu.memory_space<hbm>>
      %dma_wait3A_740 = arith.constant 0 : i32
      %dma_wait3A_741 = arith.constant 0 : i32
      %dma_wait3A_742 = tpu.memref_slice %arg4[%dma_wait3A_734, %dma_wait3A_740, %dma_wait3A_741] : memref<4x256x1024xf32, #tpu.memory_space<vmem_shared>> -> memref<1x256x1024xf32, #tpu.memory_space<vmem_shared>>
      %dma_wait3A_743 = tpu.memref_squeeze %dma_wait3A_742 : memref<1x256x1024xf32, #tpu.memory_space<vmem_shared>> -> memref<256x1024xf32, #tpu.memory_space<vmem_shared>>
      tpu.wait_dma2 semaphore(%dma_wait3A_737 : memref<!tpu.dma_semaphore, #tpu.memory_space<semaphore_mem>>) src(%dma_wait3A_743 : memref<256x1024xf32, #tpu.memory_space<vmem_shared>>) dst(%dma_wait3A_739 : memref<256x1024xf32, #tpu.memory_space<hbm>>)
      %add3A_744 = arith.constant 3584 : i32
      %add3A_745 = arith.addi %mul3A_0, %add3A_744 : i32
      %dma_wait3A_746 = arith.constant 2 : i32
      %dma_wait3A_747 = arith.constant 2 : i32
      %dma_wait3A_748 = tpu.memref_slice %arg6[%dma_wait3A_747] : memref<4x!tpu.dma_semaphore, #tpu.memory_space<semaphore_mem>> -> memref<1x!tpu.dma_semaphore, #tpu.memory_space<semaphore_mem>>
      %dma_wait3A_749 = tpu.memref_squeeze %dma_wait3A_748 : memref<1x!tpu.dma_semaphore, #tpu.memory_space<semaphore_mem>> -> memref<!tpu.dma_semaphore, #tpu.memory_space<semaphore_mem>>
      %dma_wait3A_750 = arith.constant 0 : i32
      %dma_wait3A_751 = tpu.memref_slice %arg3[%add3A_745, %dma_wait3A_750] : memref<8192x1024xf32, #tpu.memory_space<hbm>> -> memref<256x1024xf32, #tpu.memory_space<hbm>>
      %dma_wait3A_752 = arith.constant 0 : i32
      %dma_wait3A_753 = arith.constant 0 : i32
      %dma_wait3A_754 = tpu.memref_slice %arg4[%dma_wait3A_746, %dma_wait3A_752, %dma_wait3A_753] : memref<4x256x1024xf32, #tpu.memory_space<vmem_shared>> -> memref<1x256x1024xf32, #tpu.memory_space<vmem_shared>>
      %dma_wait3A_755 = tpu.memref_squeeze %dma_wait3A_754 : memref<1x256x1024xf32, #tpu.memory_space<vmem_shared>> -> memref<256x1024xf32, #tpu.memory_space<vmem_shared>>
      tpu.wait_dma2 semaphore(%dma_wait3A_749 : memref<!tpu.dma_semaphore, #tpu.memory_space<semaphore_mem>>) src(%dma_wait3A_755 : memref<256x1024xf32, #tpu.memory_space<vmem_shared>>) dst(%dma_wait3A_751 : memref<256x1024xf32, #tpu.memory_space<hbm>>)
      %add3A_756 = arith.constant 3840 : i32
      %add3A_757 = arith.addi %mul3A_0, %add3A_756 : i32
      %dma_wait3A_758 = arith.constant 3 : i32
      %dma_wait3A_759 = arith.constant 3 : i32
      %dma_wait3A_760 = tpu.memref_slice %arg6[%dma_wait3A_759] : memref<4x!tpu.dma_semaphore, #tpu.memory_space<semaphore_mem>> -> memref<1x!tpu.dma_semaphore, #tpu.memory_space<semaphore_mem>>
      %dma_wait3A_761 = tpu.memref_squeeze %dma_wait3A_760 : memref<1x!tpu.dma_semaphore, #tpu.memory_space<semaphore_mem>> -> memref<!tpu.dma_semaphore, #tpu.memory_space<semaphore_mem>>
      %dma_wait3A_762 = arith.constant 0 : i32
      %dma_wait3A_763 = tpu.memref_slice %arg3[%add3A_757, %dma_wait3A_762] : memref<8192x1024xf32, #tpu.memory_space<hbm>> -> memref<256x1024xf32, #tpu.memory_space<hbm>>
      %dma_wait3A_764 = arith.constant 0 : i32
      %dma_wait3A_765 = arith.constant 0 : i32
      %dma_wait3A_766 = tpu.memref_slice %arg4[%dma_wait3A_758, %dma_wait3A_764, %dma_wait3A_765] : memref<4x256x1024xf32, #tpu.memory_space<vmem_shared>> -> memref<1x256x1024xf32, #tpu.memory_space<vmem_shared>>
      %dma_wait3A_767 = tpu.memref_squeeze %dma_wait3A_766 : memref<1x256x1024xf32, #tpu.memory_space<vmem_shared>> -> memref<256x1024xf32, #tpu.memory_space<vmem_shared>>
      tpu.wait_dma2 semaphore(%dma_wait3A_761 : memref<!tpu.dma_semaphore, #tpu.memory_space<semaphore_mem>>) src(%dma_wait3A_767 : memref<256x1024xf32, #tpu.memory_space<vmem_shared>>) dst(%dma_wait3A_763 : memref<256x1024xf32, #tpu.memory_space<hbm>>)
    } else {
    }
    return
  }
}

</mosaic_0001>

<sc_bundles>
// kernel: kernel.3.cloned.1.call-start
scs
__scs_entry_jumppad:
0x0: {  	(pc) =	sbr.rel $0x88, $3  }
0x1: {  	(tag) =	ssettag $0x0;
	lr =	simm.s32 $0x1  }
0x2: {  	[smem:$0x3FA0] =	sst lr;
	_ =	strace $0xD0000000  }
0x3: {  	_ = 	snop  }
0x4: {  	_ = 	snop  }
0x5: {  	_ = 	snop  }
0x6: {  	_ = 	snop  }
0x7: {  	_ = 	snop  }
__scs_overlays_trampoline_lowered:
0x8: {  	[smem:$0x3FAF] =	sst s0  }
0x9: {  	[smem:$0x3FB0] =	sst s1  }
0xa: {  	[smem:$0x3FB1] =	sst s2  }
0xb: {  	[smem:$0x3FB2] =	sst s3  }
0xc: {  	[smem:$0x3FB3] =	sst s4  }
0xd: {  	[smem:$0x3FB4] =	sst s5  }
0xe: {  	[smem:$0x3FB5] =	sst s6  }
0xf: {  	[smem:$0x3FB6] =	sst s7  }
0x10: {  	[smem:$0x3FB7] =	sst s8  }
0x11: {  	[smem:$0x3FB8] =	sst s9;
	s0 =	simm.s32 @!p0 $0x0  }
0x12: {  	s1 =	sld [smem:$0x3F9E];
	s0 =	simm.s32 @p0 $0x1  }
0x13: {  	[smem:$0x3FB9] =	sst s0;
	s0 =	simm.s32 @!p1 $0x0  }
0x14: {  	s2 =	sld [smem:$0x3F9D];
	s0 =	simm.s32 @p1 $0x1  }
0x15: {  	[smem:$0x3FBA] =	sst s0;
	s0 =	simm.s32 @!p2 $0x0  }
0x16: {  	s3 =	sld [smem:$0x3FDB];
	s0 =	simm.s32 @p2 $0x1  }
0x17: {  	s4 =	simm.s32 $0x1BF5;
	[smem:$0x3FBC] =	sst s0  }
0x18: {  	s0 =	sld [smem:$0x3F9F];
	_ =	swait.ge [sflag:s4], $0x0  }
0x19: {  	s7 =	sld [smem:$0x3FA0]  }
0x1a: {  	s8 =	sadd.s32 $0xFFFFE003, lr  }
0x1b: {  	s9 =	sadd.s32 $0xFFFFFEF7, lr;
	s5 =	simm.s32 $0xFFFFFFFF;
	p2 =	slt.u32 s8, $0xFFFFF086  }
0x1c: {  	p1 =	slt.u32 s9, $0xF7A;
	s5 =	simm.s32 @!p2 $0x0  }
0x1d: {  	s5 =	simm.s32 @p1 $0x1;
	p0 =	seq.s32 s7, s2  }
0x1e: {  	s7 =	smul.u32 @!p0 $0xF7A, s2;
	p2 =	seq.s32 @!p0 s5, $0x0  }
0x1f: {  	s9 =	smul.u32 $0xF7A, s1;
	s8 =	simm.s32 @!p0 $0x1BF5;
	p2 =	por !p2, p0  }
0x20: {  	[sflag:s8] =	ssyncset.s32 @!p0 $0xFFFFF086;
	s6 =	sadd.s32 @!p0 s3, s7;
	s7 =	simm.s32 @!p0 $0x108  }
0x21: {  	s3 =	sadd.s32 s3, s9;
	s6 =	sadd.s32 @!p0 $0x88, s6;
	s7 =	simm.s32 @p2 $0x1082  }
0x22: {  	[simem:s7], [sflag:s8] =	dma.local @!p0 [hbm:s6], $0xF7A  }
0x23: {  	s9 =	sor.u32 $0xD0000000, s2;
	s6 =	simm.s32 $0x108;
	_ =	swait.ge @!p0 [sflag:s8], $0x0  }
0x24: {  	s3 =	sadd.s32 $0x88, s3;
	s6 =	simm.s32 @!p1 $0x1082;
	[sflag:s4] =	ssyncset.s32 $0xFFFFF086  }
0x25: {  	[simem:s6], [sflag:s4] =	dma.local [hbm:s3], $0xF7A  }
0x26: {  	[smem:$0x3FA0] =	sst s1;
	(tag) =	ssettag s2;
	_ =	strace s9  }
0x27: {  	s1 =	sld [smem:$0x3FB0]  }
0x28: {  	s2 =	sld [smem:$0x3FB1]  }
0x29: {  	s4 =	sld [smem:$0x3FB3]  }
0x2a: {  	p0 =	seq.s32 s5, $0x0;
	s5 =	sld [smem:$0x3FB4]  }
0x2b: {  	s6 =	sld [smem:$0x3FB5]  }
0x2c: {  	s7 =	sld [smem:$0x3FB6]  }
0x2d: {  	s3 =	simm.s32 $0x108;
	s8 =	sld [smem:$0x3FB7]  }
0x2e: {  	s3 =	simm.s32 @!p0 $0x1082;
	s9 =	sld [smem:$0x3FB8]  }
0x2f: {  	lr =	sadd.s32 s0, s3;
	s0 =	sld [smem:$0x3FAF]  }
0x30: {  	s3 =	sld [smem:$0x3FB2]  }
0x31: {  	[smem:$0x3FBB] =	sst s10  }
0x32: {  	s10 =	sld [smem:$0x3FB9];
	_ =	sdelay $0x3  }
0x33: {  	p0 =	seq.s32 s10, $0x1;
	s10 =	sld [smem:$0x3FBB];
	_ =	sdelay $0x3  }
0x34: {  	[smem:$0x3FBB] =	sst s10  }
0x35: {  	s10 =	sld [smem:$0x3FBA];
	_ =	sdelay $0x3  }
0x36: {  	p1 =	seq.s32 s10, $0x1;
	s10 =	sld [smem:$0x3FBB];
	_ =	sdelay $0x3  }
0x37: {  	[smem:$0x3FBB] =	sst s10  }
0x38: {  	s10 =	sld [smem:$0x3FBC]  }
0x39: {  	_ = 	snop;
	(pc) =	sbr.ind lr, $3  }
0x3a: {  	_ = 	snop  }
0x3b: {  	_ = 	snop  }
0x3c: {  	p2 =	seq.s32 s10, $0x1;
	s10 =	sld [smem:$0x3FBB]  }
0x3d: {  	_ =	shalt  }
0x3e: {  	_ =	shalt  }
0x3f: {  	_ =	shalt  }
0x40: {  	_ =	shalt  }
0x41: {  	_ =	shalt  }
0x42: {  	_ =	shalt  }
0x43: {  	_ =	shalt  }
0x44: {  	_ =	shalt  }
0x45: {  	_ =	shalt  }
0x46: {  	_ =	shalt  }
0x47: {  	_ =	shalt  }
0x48: {  	_ =	shalt  }
0x49: {  	_ =	shalt  }
0x4a: {  	_ =	shalt  }
0x4b: {  	_ =	shalt  }
0x4c: {  	_ =	shalt  }
0x4d: {  	_ =	shalt  }
0x4e: {  	_ =	shalt  }
0x4f: {  	_ =	shalt  }
0x50: {  	_ =	shalt  }
0x51: {  	_ =	shalt  }
0x52: {  	_ =	shalt  }
0x53: {  	_ =	shalt  }
0x54: {  	_ =	shalt  }
0x55: {  	_ =	shalt  }
0x56: {  	_ =	shalt  }
0x57: {  	_ =	shalt  }
0x58: {  	_ =	shalt  }
0x59: {  	_ =	shalt  }
0x5a: {  	_ =	shalt  }
0x5b: {  	_ =	shalt  }
0x5c: {  	_ =	shalt  }
0x5d: {  	_ =	shalt  }
0x5e: {  	_ =	shalt  }
0x5f: {  	_ =	shalt  }
0x60: {  	_ =	shalt  }
0x61: {  	_ =	shalt  }
0x62: {  	_ =	shalt  }
0x63: {  	_ =	shalt  }
0x64: {  	_ =	shalt  }
0x65: {  	_ =	shalt  }
0x66: {  	_ =	shalt  }
0x67: {  	_ =	shalt  }
0x68: {  	_ =	shalt  }
0x69: {  	_ =	shalt  }
0x6a: {  	_ =	shalt  }
0x6b: {  	_ =	shalt  }
0x6c: {  	_ =	shalt  }
0x6d: {  	_ =	shalt  }
0x6e: {  	_ =	shalt  }
0x6f: {  	_ =	shalt  }
0x70: {  	_ =	shalt  }
0x71: {  	_ =	shalt  }
0x72: {  	_ =	shalt  }
0x73: {  	_ =	shalt  }
0x74: {  	_ =	shalt  }
0x75: {  	_ =	shalt  }
0x76: {  	_ =	shalt  }
0x77: {  	_ =	shalt  }
0x78: {  	_ =	shalt  }
0x79: {  	_ =	shalt  }
0x7a: {  	_ =	shalt  }
0x7b: {  	_ =	shalt  }
0x7c: {  	_ =	shalt  }
0x7d: {  	_ =	shalt  }
0x7e: {  	_ =	shalt  }
0x7f: {  	_ =	shalt  }
0x80: {  	_ =	shalt  }
0x81: {  	_ =	shalt  }
0x82: {  	_ =	shalt  }
0x83: {  	_ =	shalt  }
0x84: {  	_ =	shalt  }
0x85: {  	_ =	shalt  }
0x86: {  	_ =	shalt  }
0x87: {  	_ =	shalt  }
.Lfunc_end0:
.L_simem_size_0:
called_computation_lowered:
.L_overlay_start_0:
0x88: {  	s2 =	sld [smem:$0x3FD9]  }
0x89: {  	s3 =	sld [smem:$0x3FFE];
	_ =	sdelay $0x1  }
0x8a: {  	s1 =	srdreg.scid  }
0x8b: {  	s0 =	sand.u32 $0x1, s1  }
0x8c: {  	s18 =	sshll.u32 s0, $0xA;
	s2 =	sadd.s32 s3, s2  }
0x8d: {  	s2 =	sadd.s32 s2, s18  }
0x8e: {  	[smem:$0x3FC7] =	sst s2  }
0x8f: {  	_ = 	snop  }
0x90: {  	s2 =	sld [smem:$0x3FC9]  }
0x91: {  	s19 =	sld [smem:$0x3FD0];
	(tm) =	ssettm $0x1  }
0x92: {  	s4 =	sld [smem:$0x3FFB];
	_ =	sdelay $0x3  }
0x93: {  	_ =	strace s4  }
0x94: {  	s4 =	sld [smem:$0x3FFC];
	_ =	sdelay $0x3  }
0x95: {  	_ =	strace s4  }
0x96: {  	s4 =	sld [smem:$0x3FFD];
	_ =	sdelay $0x3  }
0x97: {  	_ =	strace s4  }
0x98: {  	_ =	strace $0x8FFFFFFF  }
0x99: {  	s20 =	sld [smem:$0x3FDB];
	_ =	sdelay $0x1  }
0x9a: {  	s5 =	simm.s32 $_scs_section_size  }
0x9b: {  	s6 =	simm.s32 $_size__tile_overlayer_lowered;
	s7 =	simm.s32 $_tile_overlayer_lowered  }
0x9c: {  	s23 =	simm.s32 $0x1BFF;
	s22 =	sshll.u32 s7, $0x1;
	s4 =	sadd.s32 s5, s20  }
0x9d: {  	s8 =	simm.s32 $0x0;
	s21 =	sshll.u32 s6, $0x1;
	s6 =	sadd.s32 s22, s4  }
0x9e: {  	[timem:s8], [sflag:s23] =	dma.local [hbm:s6], s21  }
0x9f: {  	_ =	swait.ge [sflag:s23], s21  }
0xa0: {  	s5 =	ssub.s32 $0x0, s21;
	[sflag:s23] =	ssyncset.done $0x0  }
0xa1: {  	[sflag:s23] =	ssyncadd.s32 s5;
	_ =	sdelay $0x1  }
0xa2: {  	s24 =	simm.s32 $0x1B8B  }
0xa3: {  	_ =	swait.ge [sflag:s24], $0x1  }
0xa4: {  	[sflag:s24] =	ssyncset.done $0x0  }
0xa5: {  	s25 =	simm.s32 $0x1B8E;
	[sflag:s24] =	ssyncadd.s32 $0xFFFFFFFF  }
0xa6: {  	s26 =	simm.s32 $execute0_lowered;
	[smem:$0x3FD2] =	sst s25  }
0xa7: {  	s5 =	sshll.u32 s26, $0x1;
	_ =	strace $0x80000046;
	[dreg:$0x1] =	wrdreg $0xFFFFFFFF  }
0xa8: {  	s28 =	simm.s32 $_size_execute0_lowered;
	s4 =	sadd.s32 s4, s5;
	[dreg:$0x0] =	wrdreg $0x0  }
0xa9: {  	s5 =	sshll.u32 s28, $0x1;
	[dreg:$0x2] =	wrdreg s4  }
0xaa: {  	[dreg:$0x3] =	wrdreg s5  }
0xab: {  	[dreg:$0x4] =	wrdreg $0xC0  }
0xac: {  	_ =	task [dreg:s8], $0x5FFFF  }
0xad: {  	[dreg:$0x1] =	wrdreg $0xFFFFFFFF  }
0xae: {  	[dreg:$0x0] =	wrdreg $0x60  }
0xaf: {  	[dreg:$0x2] =	wrdreg s2  }
0xb0: {  	[dreg:$0x3] =	wrdreg s19  }
0xb1: {  	[dreg:$0x4] =	wrdreg $0x0  }
0xb2: {  	[dreg:$0x5] =	wrdreg $0x9  }
0xb3: {  	_ =	task.clear_ibuf [dreg:s8], $0x6FFFF;
	_ =	strace $0x90000046  }
0xb4: {  	s29 =	simm.s32 $0x9;
	_ =	strace $0x80000048  }
0xb5: {  	_ =	swait.ge [sflag:s29], $0x1  }
0xb6: {  	[sflag:s29] =	ssyncadd.s32 $0xFFFFFFFF  }
0xb7: {  	_ =	strace $0x90000048  }
0xb8: {  	_ =	sfence  }
0xb9: {  	s30 =	sld [smem:$0x0];
	_ =	sdelay $0x2  }
0xba: {  	s31 =	sshll.u32 s1, $0xD;
	s1 =	sshrl.u32 s1, $0x2  }
0xbb: {  	s3 =	sand.u32 $0x4000, s31;
	s1 =	sadd.s32 s1, s30  }
0xbc: {  	s0 =	sor.u32 s3, s0;
	s1 =	sshll.u32 s1, $0x11  }
0xbd: {  	s0 =	sor.u32 s1, s0  }
0xbe: {  	s0 =	sadd.s32 $0x8F2B, s0  }
0xbf: {  	[sflag:s0] =	ssyncadd.remote.s32 $0x1  }
0xc0: {  	_ =	sfence.sel $0xFFFF  }
0xc1: {  	[dreg:$0x0] =	wrdreg $0xFFFFFFFF;
	(pc) =	sbr.abs _section_cstart, $3  }
0xc2: {  	[dreg:$0x1] =	wrdreg $0xFFFFFFFF  }
0xc3: {  	_ =	task.clear_ibuf [dreg:s8], $0x2FFFF;
	_ =	strace $0x9FFFFFFF  }
0xc4: {  	(tm) =	ssettm $0x7FFFFFFF  }
0xc5: {  	_ =	shalt  }
tec
execute0_lowered:
.L_overlay_start_1:
0x0: {  	(tag) =	ssettag $0x1  }
0x1: {  	s3 =	stileid.u32  }
0x2: {  	p0 =	sne.s32 s3, $0x0  }
.Ltmp0:
0x3: {  	s5 =	rddreg [dreg:$0x0];
	(pc) =	sbr.rel @p0 .LBB2_5-.Ltmp0, $4  }
0x4: {  	s1 =	rddreg [dreg:$0x1]  }
0x5: {  	s13 =	rddreg [dreg:$0x2];
	s2 =	simm.s32 $0x0  }
0x6: {  	[smem:$0x7FF] =	sst s2  }
0x7: {  	s0 =	rddreg [dreg:$0x3];
	_ =	strace $0x80000047  }
0x8: {  	s2 =	srdreg.scid  }
0x9: {  	s2 =	sand.u32 $0x1, s2  }
0xa: {  	s7 =	sshll.u32 s2, $0x13  }
0xb: {  	s28 =	simm.s32 $0x1C01;
	s3 =	sor.u32 $0x8000, s7;
	s26 =	sadd.s32 s1, s7  }
0xc: {  	s6 =	sor.u32 $0x10000, s7;
	s4 =	sadd.s32 s5, s3;
	[dreg:$0x7] =	wrdreg s26  }
0xd: {  	s8 =	sor.u32 $0x18000, s7;
	s24 =	sadd.s32 s5, s6;
	[dreg:$0x4] =	wrdreg s4  }
0xe: {  	s9 =	sor.u32 $0x20000, s7;
	s25 =	sadd.s32 s5, s8;
	[dreg:$0x5] =	wrdreg s24  }
0xf: {  	p1 =	por $0x0, $0x0;
	s31 =	sadd.s32 s5, s9;
	[dreg:$0x6] =	wrdreg s25  }
0x10: {  	s10 =	sor.u32 $0x28000, s7;
	s3 =	sadd.s32 s1, s3;
	[dreg:$0x8] =	wrdreg s31  }
0x11: {  	s14 =	sor.u32 $0x30000, s7;
	s11 =	sadd.s32 s5, s10;
	[dreg:$0x9] =	wrdreg s3  }
0x12: {  	s17 =	sor.u32 $0x38000, s7;
	s12 =	sadd.s32 s1, s6;
	[dreg:$0xa] =	wrdreg s11  }
0x13: {  	s20 =	sor.u32 $0x40000, s7;
	s15 =	sadd.s32 s5, s14;
	[dreg:$0xb] =	wrdreg s12  }
0x14: {  	s23 =	sor.u32 $0x48000, s7;
	s16 =	sadd.s32 s1, s8;
	[dreg:$0xc] =	wrdreg s15  }
0x15: {  	s29 =	sadd.s32 s5, s7;
	s18 =	sadd.s32 s5, s17;
	[dreg:$0xd] =	wrdreg s16  }
0x16: {  	s19 =	sadd.s32 s1, s9;
	s21 =	sadd.s32 s5, s20;
	[dreg:$0xe] =	wrdreg s18  }
0x17: {  	s22 =	sadd.s32 s1, s10;
	s26 =	sor.u32 $0x50000, s7;
	[dreg:$0xf] =	wrdreg s19  }
0x18: {  	s10 =	sadd.s32 s1, s17;
	s8 =	simm.s32 $0x6;
	[dreg:$0x10] =	wrdreg s21  }
0x19: {  	s9 =	simm.s32 $0x7;
	[dreg:$0x11] =	wrdreg s22;
	s24 =	sadd.s32 s5, s23  }
0x1a: {  	s25 =	sadd.s32 s1, s14;
	s31 =	sadd.s32 s5, s26;
	[dreg:$0x15] =	wrdreg s10  }
0x1b: {  	s11 =	sor.u32 $0x58000, s7;
	s18 =	sadd.s32 s1, s20;
	[dreg:$0x12] =	wrdreg s24  }
0x1c: {  	s19 =	sor.u32 $0x60000, s7;
	s21 =	sadd.s32 s1, s23;
	[dreg:$0x13] =	wrdreg s25  }
0x1d: {  	s10 =	sor.u32 $0x68000, s7;
	s12 =	sadd.s32 $0x40000, s13;
	[dreg:$0x14] =	wrdreg s31  }
0x1e: {  	s15 =	sadd.s32 $0x80000, s13;
	s23 =	sadd.s32 s1, s26;
	[dreg:$0x17] =	wrdreg s18  }
0x1f: {  	s16 =	sadd.s32 $0xC0000, s13;
	s17 =	sadd.s32 s5, s11;
	[dreg:$0x19] =	wrdreg s21  }
0x20: {  	s20 =	sadd.s32 s5, s19;
	s22 =	sadd.s32 s5, s10;
	[dreg:$0x1b] =	wrdreg s23  }
0x21: {  	s11 =	sadd.s32 s1, s11;
	s24 =	sor.u32 $0x78000, s7;
	s4 =	sadd.s32 s1, s19  }
0x22: {  	s25 =	ssub.s32 $0x2, s2;
	s3 =	sadd.s32 s1, s10;
	s12 =	sshrl.u32 s12, $0x3  }
0x23: {  	s10 =	sshrl.u32 s15, $0x3;
	s23 =	simm.s32 $0x1C04;
	s19 =	simm.s32 $0x1  }
0x24: {  	s18 =	simm.s32 $0x1C06;
	[dreg:$0x16] =	wrdreg s17;
	s26 =	sshrl.u32 s25, $0x1  }
0x25: {  	s15 =	simm.s32 $0x3;
	[dreg:$0x18] =	wrdreg s20;
	s31 =	ssub.s32 s25, s26  }
0x26: {  	[dreg:$0x1a] =	wrdreg s22;
	s17 =	sor.u32 $0x70000, s7;
	s21 =	smax.u32 s31, $0x1  }
0x27: {  	s6 =	sadd.s32 s5, s24;
	s20 =	simm.s32 $0x1C05;
	p2 =	sne.s32 s21, $0x1  }
.Ltmp1:
0x28: {  	s7 =	simm.s32 $0x5;
	s22 =	simm.s32 $0x1C08;
	(pc) =	sbr.rel @!p2 .LBB2_4-.Ltmp1, $4  }
0x29: {  	s14 =	sadd.s32 s5, s17;
	s2 =	sadd.s32 s1, s17;
	s1 =	sadd.s32 s1, s24  }
0x2a: {  	s26 =	simm.s32 $0x1C02;
	s24 =	simm.s32 $0x1C03;
	s5 =	sshrl.u32 s16, $0x3  }
0x2b: {  	s17 =	simm.s32 $0x2;
	s16 =	simm.s32 $0x1C07;
	s25 =	sshrl.u32 s13, $0x3  }
0x2c: {  	s13 =	simm.s32 $0x8;
	s30 =	sadd.s32 $0xFFFFFFFF, s21;
	s21 =	simm.s32 $0x4  }
0x2d: {  	[spmem:s25], [sflag:s28] =	dma.local [hbm:s29], $0x8000  }
0x2e: {  	s31 =	rddreg [dreg:$0x4]  }
0x2f: {  	[spmem:s12], [sflag:s26] =	dma.local [hbm:s31], $0x8000  }
0x30: {  	s31 =	rddreg [dreg:$0x5]  }
0x31: {  	[spmem:s10], [sflag:s24] =	dma.local [hbm:s31], $0x8000  }
0x32: {  	s31 =	rddreg [dreg:$0x6]  }
0x33: {  	[spmem:s5], [sflag:s23] =	dma.local [hbm:s31], $0x8000  }
0x34: {  	_ =	swait.ge [sflag:s19], $0x8000  }
0x35: {  	[sflag:s19] =	ssyncset.done $0x0  }
0x36: {  	s31 =	rddreg [dreg:$0x7];
	[sflag:s19] =	ssyncadd.s32 $0xFFFF8000  }
0x37: {  	[hbm:s31], [sflag:s20] =	dma.local [spmem:s25], $0x8000  }
0x38: {  	_ =	swait.ge [sflag:s7], $0x8000  }
0x39: {  	[sflag:s7] =	ssyncset.done $0x0  }
0x3a: {  	s31 =	rddreg [dreg:$0x8];
	[sflag:s7] =	ssyncadd.s32 $0xFFFF8000  }
0x3b: {  	[spmem:s25], [sflag:s28] =	dma.local [hbm:s31], $0x8000  }
0x3c: {  	_ =	swait.ge [sflag:s17], $0x8000  }
0x3d: {  	[sflag:s17] =	ssyncset.done $0x0  }
0x3e: {  	s31 =	rddreg [dreg:$0x9];
	[sflag:s17] =	ssyncadd.s32 $0xFFFF8000  }
0x3f: {  	[hbm:s31], [sflag:s18] =	dma.local [spmem:s12], $0x8000  }
0x40: {  	_ =	swait.ge [sflag:s8], $0x8000  }
0x41: {  	[sflag:s8] =	ssyncset.done $0x0  }
0x42: {  	s31 =	rddreg [dreg:$0xa];
	[sflag:s8] =	ssyncadd.s32 $0xFFFF8000  }
0x43: {  	[spmem:s12], [sflag:s26] =	dma.local [hbm:s31], $0x8000  }
0x44: {  	_ =	swait.ge [sflag:s15], $0x8000  }
0x45: {  	[sflag:s15] =	ssyncset.done $0x0  }
0x46: {  	s31 =	rddreg [dreg:$0xb];
	[sflag:s15] =	ssyncadd.s32 $0xFFFF8000  }
0x47: {  	[hbm:s31], [sflag:s16] =	dma.local [spmem:s10], $0x8000  }
0x48: {  	_ =	swait.ge [sflag:s9], $0x8000  }
0x49: {  	[sflag:s9] =	ssyncset.done $0x0  }
0x4a: {  	s31 =	rddreg [dreg:$0xc];
	[sflag:s9] =	ssyncadd.s32 $0xFFFF8000  }
0x4b: {  	[spmem:s10], [sflag:s24] =	dma.local [hbm:s31], $0x8000  }
0x4c: {  	_ =	swait.ge [sflag:s21], $0x8000  }
0x4d: {  	[sflag:s21] =	ssyncset.done $0x0  }
0x4e: {  	s31 =	rddreg [dreg:$0xd];
	[sflag:s21] =	ssyncadd.s32 $0xFFFF8000  }
0x4f: {  	[hbm:s31], [sflag:s22] =	dma.local [spmem:s5], $0x8000  }
0x50: {  	_ =	swait.ge [sflag:s13], $0x8000  }
0x51: {  	[sflag:s13] =	ssyncset.done $0x0  }
0x52: {  	s31 =	rddreg [dreg:$0xe];
	[sflag:s13] =	ssyncadd.s32 $0xFFFF8000  }
0x53: {  	[spmem:s5], [sflag:s23] =	dma.local [hbm:s31], $0x8000  }
0x54: {  	_ =	swait.ge [sflag:s19], $0x8000  }
0x55: {  	[sflag:s19] =	ssyncset.done $0x0  }
0x56: {  	s31 =	rddreg [dreg:$0xf];
	[sflag:s19] =	ssyncadd.s32 $0xFFFF8000  }
0x57: {  	[hbm:s31], [sflag:s20] =	dma.local [spmem:s25], $0x8000  }
0x58: {  	_ =	swait.ge [sflag:s7], $0x8000  }
0x59: {  	[sflag:s7] =	ssyncset.done $0x0  }
0x5a: {  	s31 =	rddreg [dreg:$0x10];
	[sflag:s7] =	ssyncadd.s32 $0xFFFF8000  }
0x5b: {  	[spmem:s25], [sflag:s28] =	dma.local [hbm:s31], $0x8000  }
0x5c: {  	_ =	swait.ge [sflag:s17], $0x8000  }
0x5d: {  	[sflag:s17] =	ssyncset.done $0x0  }
0x5e: {  	s31 =	rddreg [dreg:$0x11];
	[sflag:s17] =	ssyncadd.s32 $0xFFFF8000  }
0x5f: {  	[hbm:s31], [sflag:s18] =	dma.local [spmem:s12], $0x8000  }
0x60: {  	_ =	swait.ge [sflag:s8], $0x8000  }
0x61: {  	[sflag:s8] =	ssyncset.done $0x0  }
0x62: {  	s31 =	rddreg [dreg:$0x12];
	[sflag:s8] =	ssyncadd.s32 $0xFFFF8000  }
0x63: {  	[spmem:s12], [sflag:s26] =	dma.local [hbm:s31], $0x8000  }
0x64: {  	_ =	swait.ge [sflag:s15], $0x8000  }
0x65: {  	[sflag:s15] =	ssyncset.done $0x0  }
0x66: {  	s31 =	rddreg [dreg:$0x13];
	[sflag:s15] =	ssyncadd.s32 $0xFFFF8000  }
0x67: {  	[hbm:s31], [sflag:s16] =	dma.local [spmem:s10], $0x8000  }
0x68: {  	_ =	swait.ge [sflag:s9], $0x8000  }
0x69: {  	[sflag:s9] =	ssyncset.done $0x0  }
0x6a: {  	s31 =	rddreg [dreg:$0x14];
	[sflag:s9] =	ssyncadd.s32 $0xFFFF8000  }
0x6b: {  	[spmem:s10], [sflag:s24] =	dma.local [hbm:s31], $0x8000  }
0x6c: {  	_ =	swait.ge [sflag:s21], $0x8000  }
0x6d: {  	[sflag:s21] =	ssyncset.done $0x0  }
0x6e: {  	s31 =	rddreg [dreg:$0x15];
	[sflag:s21] =	ssyncadd.s32 $0xFFFF8000  }
0x6f: {  	[hbm:s31], [sflag:s22] =	dma.local [spmem:s5], $0x8000  }
0x70: {  	_ =	swait.ge [sflag:s13], $0x8000  }
0x71: {  	[sflag:s13] =	ssyncset.done $0x0  }
0x72: {  	s31 =	rddreg [dreg:$0x16];
	[sflag:s13] =	ssyncadd.s32 $0xFFFF8000  }
0x73: {  	[spmem:s5], [sflag:s23] =	dma.local [hbm:s31], $0x8000  }
0x74: {  	_ =	swait.ge [sflag:s19], $0x8000  }
0x75: {  	[sflag:s19] =	ssyncset.done $0x0  }
0x76: {  	s31 =	rddreg [dreg:$0x17];
	[sflag:s19] =	ssyncadd.s32 $0xFFFF8000  }
0x77: {  	[hbm:s31], [sflag:s20] =	dma.local [spmem:s25], $0x8000  }
0x78: {  	_ =	swait.ge [sflag:s7], $0x8000  }
0x79: {  	[sflag:s7] =	ssyncset.done $0x0  }
0x7a: {  	s31 =	rddreg [dreg:$0x18];
	[sflag:s7] =	ssyncadd.s32 $0xFFFF8000  }
0x7b: {  	[spmem:s25], [sflag:s28] =	dma.local [hbm:s31], $0x8000  }
0x7c: {  	_ =	swait.ge [sflag:s17], $0x8000  }
0x7d: {  	[sflag:s17] =	ssyncset.done $0x0  }
0x7e: {  	s31 =	rddreg [dreg:$0x19];
	[sflag:s17] =	ssyncadd.s32 $0xFFFF8000  }
0x7f: {  	[hbm:s31], [sflag:s18] =	dma.local [spmem:s12], $0x8000  }
0x80: {  	_ =	swait.ge [sflag:s8], $0x8000  }
0x81: {  	[sflag:s8] =	ssyncset.done $0x0  }
0x82: {  	s31 =	rddreg [dreg:$0x1a];
	[sflag:s8] =	ssyncadd.s32 $0xFFFF8000  }
0x83: {  	[spmem:s12], [sflag:s26] =	dma.local [hbm:s31], $0x8000  }
0x84: {  	_ =	swait.ge [sflag:s15], $0x8000  }
0x85: {  	[sflag:s15] =	ssyncset.done $0x0  }
0x86: {  	s31 =	rddreg [dreg:$0x1b];
	[sflag:s15] =	ssyncadd.s32 $0xFFFF8000  }
0x87: {  	[hbm:s31], [sflag:s16] =	dma.local [spmem:s10], $0x8000  }
0x88: {  	_ =	swait.ge [sflag:s9], $0x8000  }
0x89: {  	[sflag:s9] =	ssyncset.done $0x0  }
0x8a: {  	[sflag:s9] =	ssyncadd.s32 $0xFFFF8000  }
0x8b: {  	[spmem:s10], [sflag:s24] =	dma.local [hbm:s14], $0x8000  }
0x8c: {  	_ =	swait.ge [sflag:s21], $0x8000  }
0x8d: {  	[sflag:s21] =	ssyncset.done $0x0  }
0x8e: {  	[sflag:s21] =	ssyncadd.s32 $0xFFFF8000  }
0x8f: {  	[hbm:s11], [sflag:s22] =	dma.local [spmem:s5], $0x8000  }
0x90: {  	_ =	swait.ge [sflag:s13], $0x8000  }
0x91: {  	[sflag:s13] =	ssyncset.done $0x0  }
0x92: {  	[sflag:s13] =	ssyncadd.s32 $0xFFFF8000  }
0x93: {  	[spmem:s5], [sflag:s23] =	dma.local [hbm:s6], $0x8000  }
0x94: {  	_ =	swait.ge [sflag:s19], $0x8000  }
0x95: {  	[sflag:s19] =	ssyncset.done $0x0  }
0x96: {  	[sflag:s19] =	ssyncadd.s32 $0xFFFF8000  }
0x97: {  	[hbm:s4], [sflag:s20] =	dma.local [spmem:s25], $0x8000  }
0x98: {  	_ =	swait.ge [sflag:s17], $0x8000  }
0x99: {  	[sflag:s17] =	ssyncset.done $0x0  }
0x9a: {  	[sflag:s17] =	ssyncadd.s32 $0xFFFF8000  }
0x9b: {  	[hbm:s3], [sflag:s18] =	dma.local [spmem:s12], $0x8000  }
0x9c: {  	_ =	swait.ge [sflag:s15], $0x8000  }
0x9d: {  	[sflag:s15] =	ssyncset.done $0x0  }
0x9e: {  	[sflag:s15] =	ssyncadd.s32 $0xFFFF8000  }
0x9f: {  	[hbm:s2], [sflag:s16] =	dma.local [spmem:s10], $0x8000  }
0xa0: {  	_ =	swait.ge [sflag:s21], $0x8000  }
0xa1: {  	[sflag:s21] =	ssyncset.done $0x0  }
0xa2: {  	[sflag:s21] =	ssyncadd.s32 $0xFFFF8000  }
0xa3: {  	[hbm:s1], [sflag:s22] =	dma.local [spmem:s5], $0x8000  }
0xa4: {  	_ =	swait.ge [sflag:s7], $0x8000  }
0xa5: {  	[sflag:s7] =	ssyncset.done $0x0  }
0xa6: {  	[sflag:s7] =	ssyncadd.s32 $0xFFFF8000  }
0xa7: {  	_ =	swait.ge [sflag:s8], $0x8000  }
0xa8: {  	[sflag:s8] =	ssyncset.done $0x0  }
0xa9: {  	p2 =	sne.s32 s30, $0x1;
	[sflag:s8] =	ssyncadd.s32 $0xFFFF8000  }
.Ltmp2:
0xaa: {  	_ =	swait.ge [sflag:s9], $0x8000;
	(pc) =	sbr.rel @!p2 .LBB2_4-.Ltmp2, $4  }
0xab: {  	[sflag:s9] =	ssyncset.done $0x0  }
0xac: {  	[sflag:s9] =	ssyncadd.s32 $0xFFFF8000  }
0xad: {  	_ =	swait.ge [sflag:s13], $0x8000  }
0xae: {  	s30 =	sadd.s32 $0xFFFFFFFF, s30;
	p1 =	por $0x1, $0x1;
	[sflag:s13] =	ssyncset.done $0x0  }
.LBB2_3:
0xaf: {  	[sflag:s13] =	ssyncadd.s32 $0xFFFF8000  }
0xb0: {  	[spmem:s25], [sflag:s28] =	dma.local [hbm:s29], $0x8000  }
0xb1: {  	s31 =	rddreg [dreg:$0x4]  }
0xb2: {  	[spmem:s12], [sflag:s26] =	dma.local [hbm:s31], $0x8000  }
0xb3: {  	s31 =	rddreg [dreg:$0x5]  }
0xb4: {  	[spmem:s10], [sflag:s24] =	dma.local [hbm:s31], $0x8000  }
0xb5: {  	s31 =	rddreg [dreg:$0x6]  }
0xb6: {  	[spmem:s5], [sflag:s23] =	dma.local [hbm:s31], $0x8000  }
0xb7: {  	_ =	swait.ge [sflag:s19], $0x8000  }
0xb8: {  	[sflag:s19] =	ssyncset.done $0x0  }
0xb9: {  	s31 =	rddreg [dreg:$0x7];
	[sflag:s19] =	ssyncadd.s32 $0xFFFF8000  }
0xba: {  	[hbm:s31], [sflag:s20] =	dma.local [spmem:s25], $0x8000  }
0xbb: {  	_ =	swait.ge [sflag:s7], $0x8000  }
0xbc: {  	[sflag:s7] =	ssyncset.done $0x0  }
0xbd: {  	s31 =	rddreg [dreg:$0x8];
	[sflag:s7] =	ssyncadd.s32 $0xFFFF8000  }
0xbe: {  	[spmem:s25], [sflag:s28] =	dma.local [hbm:s31], $0x8000  }
0xbf: {  	_ =	swait.ge [sflag:s17], $0x8000  }
0xc0: {  	[sflag:s17] =	ssyncset.done $0x0  }
0xc1: {  	s31 =	rddreg [dreg:$0x9];
	[sflag:s17] =	ssyncadd.s32 $0xFFFF8000  }
0xc2: {  	[hbm:s31], [sflag:s18] =	dma.local [spmem:s12], $0x8000  }
0xc3: {  	_ =	swait.ge [sflag:s8], $0x8000  }
0xc4: {  	[sflag:s8] =	ssyncset.done $0x0  }
0xc5: {  	s31 =	rddreg [dreg:$0xa];
	[sflag:s8] =	ssyncadd.s32 $0xFFFF8000  }
0xc6: {  	[spmem:s12], [sflag:s26] =	dma.local [hbm:s31], $0x8000  }
0xc7: {  	_ =	swait.ge [sflag:s15], $0x8000  }
0xc8: {  	[sflag:s15] =	ssyncset.done $0x0  }
0xc9: {  	s31 =	rddreg [dreg:$0xb];
	[sflag:s15] =	ssyncadd.s32 $0xFFFF8000  }
0xca: {  	[hbm:s31], [sflag:s16] =	dma.local [spmem:s10], $0x8000  }
0xcb: {  	_ =	swait.ge [sflag:s9], $0x8000  }
0xcc: {  	[sflag:s9] =	ssyncset.done $0x0  }
0xcd: {  	s31 =	rddreg [dreg:$0xc];
	[sflag:s9] =	ssyncadd.s32 $0xFFFF8000  }
0xce: {  	[spmem:s10], [sflag:s24] =	dma.local [hbm:s31], $0x8000  }
0xcf: {  	_ =	swait.ge [sflag:s21], $0x8000  }
0xd0: {  	[sflag:s21] =	ssyncset.done $0x0  }
0xd1: {  	s31 =	rddreg [dreg:$0xd];
	[sflag:s21] =	ssyncadd.s32 $0xFFFF8000  }
0xd2: {  	[hbm:s31], [sflag:s22] =	dma.local [spmem:s5], $0x8000  }
0xd3: {  	_ =	swait.ge [sflag:s13], $0x8000  }
0xd4: {  	[sflag:s13] =	ssyncset.done $0x0  }
0xd5: {  	s31 =	rddreg [dreg:$0xe];
	[sflag:s13] =	ssyncadd.s32 $0xFFFF8000  }
0xd6: {  	[spmem:s5], [sflag:s23] =	dma.local [hbm:s31], $0x8000  }
0xd7: {  	_ =	swait.ge [sflag:s19], $0x8000  }
0xd8: {  	[sflag:s19] =	ssyncset.done $0x0  }
0xd9: {  	s31 =	rddreg [dreg:$0xf];
	[sflag:s19] =	ssyncadd.s32 $0xFFFF8000  }
0xda: {  	[hbm:s31], [sflag:s20] =	dma.local [spmem:s25], $0x8000  }
0xdb: {  	_ =	swait.ge [sflag:s7], $0x8000  }
0xdc: {  	[sflag:s7] =	ssyncset.done $0x0  }
0xdd: {  	s31 =	rddreg [dreg:$0x10];
	[sflag:s7] =	ssyncadd.s32 $0xFFFF8000  }
0xde: {  	[spmem:s25], [sflag:s28] =	dma.local [hbm:s31], $0x8000  }
0xdf: {  	_ =	swait.ge [sflag:s17], $0x8000  }
0xe0: {  	[sflag:s17] =	ssyncset.done $0x0  }
0xe1: {  	s31 =	rddreg [dreg:$0x11];
	[sflag:s17] =	ssyncadd.s32 $0xFFFF8000  }
0xe2: {  	[hbm:s31], [sflag:s18] =	dma.local [spmem:s12], $0x8000  }
0xe3: {  	_ =	swait.ge [sflag:s8], $0x8000  }
0xe4: {  	[sflag:s8] =	ssyncset.done $0x0  }
0xe5: {  	s31 =	rddreg [dreg:$0x12];
	[sflag:s8] =	ssyncadd.s32 $0xFFFF8000  }
0xe6: {  	[spmem:s12], [sflag:s26] =	dma.local [hbm:s31], $0x8000  }
0xe7: {  	_ =	swait.ge [sflag:s15], $0x8000  }
0xe8: {  	[sflag:s15] =	ssyncset.done $0x0  }
0xe9: {  	s31 =	rddreg [dreg:$0x13];
	[sflag:s15] =	ssyncadd.s32 $0xFFFF8000  }
0xea: {  	[hbm:s31], [sflag:s16] =	dma.local [spmem:s10], $0x8000  }
0xeb: {  	_ =	swait.ge [sflag:s9], $0x8000  }
0xec: {  	[sflag:s9] =	ssyncset.done $0x0  }
0xed: {  	s31 =	rddreg [dreg:$0x14];
	[sflag:s9] =	ssyncadd.s32 $0xFFFF8000  }
0xee: {  	[spmem:s10], [sflag:s24] =	dma.local [hbm:s31], $0x8000  }
0xef: {  	_ =	swait.ge [sflag:s21], $0x8000  }
0xf0: {  	[sflag:s21] =	ssyncset.done $0x0  }
0xf1: {  	s31 =	rddreg [dreg:$0x15];
	[sflag:s21] =	ssyncadd.s32 $0xFFFF8000  }
0xf2: {  	[hbm:s31], [sflag:s22] =	dma.local [spmem:s5], $0x8000  }
0xf3: {  	_ =	swait.ge [sflag:s13], $0x8000  }
0xf4: {  	[sflag:s13] =	ssyncset.done $0x0  }
0xf5: {  	s31 =	rddreg [dreg:$0x16];
	[sflag:s13] =	ssyncadd.s32 $0xFFFF8000  }
0xf6: {  	[spmem:s5], [sflag:s23] =	dma.local [hbm:s31], $0x8000  }
0xf7: {  	_ =	swait.ge [sflag:s19], $0x8000  }
0xf8: {  	[sflag:s19] =	ssyncset.done $0x0  }
0xf9: {  	s31 =	rddreg [dreg:$0x17];
	[sflag:s19] =	ssyncadd.s32 $0xFFFF8000  }
0xfa: {  	[hbm:s31], [sflag:s20] =	dma.local [spmem:s25], $0x8000  }
0xfb: {  	_ =	swait.ge [sflag:s7], $0x8000  }
0xfc: {  	[sflag:s7] =	ssyncset.done $0x0  }
0xfd: {  	s31 =	rddreg [dreg:$0x18];
	[sflag:s7] =	ssyncadd.s32 $0xFFFF8000  }
0xfe: {  	[spmem:s25], [sflag:s28] =	dma.local [hbm:s31], $0x8000  }
0xff: {  	_ =	swait.ge [sflag:s17], $0x8000  }
0x100: {  	[sflag:s17] =	ssyncset.done $0x0  }
0x101: {  	s31 =	rddreg [dreg:$0x19];
	[sflag:s17] =	ssyncadd.s32 $0xFFFF8000  }
0x102: {  	[hbm:s31], [sflag:s18] =	dma.local [spmem:s12], $0x8000  }
0x103: {  	_ =	swait.ge [sflag:s8], $0x8000  }
0x104: {  	[sflag:s8] =	ssyncset.done $0x0  }
0x105: {  	s31 =	rddreg [dreg:$0x1a];
	[sflag:s8] =	ssyncadd.s32 $0xFFFF8000  }
0x106: {  	[spmem:s12], [sflag:s26] =	dma.local [hbm:s31], $0x8000  }
0x107: {  	_ =	swait.ge [sflag:s15], $0x8000  }
0x108: {  	[sflag:s15] =	ssyncset.done $0x0  }
0x109: {  	s31 =	rddreg [dreg:$0x1b];
	[sflag:s15] =	ssyncadd.s32 $0xFFFF8000  }
0x10a: {  	[hbm:s31], [sflag:s16] =	dma.local [spmem:s10], $0x8000  }
0x10b: {  	_ =	swait.ge [sflag:s9], $0x8000  }
0x10c: {  	[sflag:s9] =	ssyncset.done $0x0  }
0x10d: {  	[sflag:s9] =	ssyncadd.s32 $0xFFFF8000  }
0x10e: {  	[spmem:s10], [sflag:s24] =	dma.local [hbm:s14], $0x8000  }
0x10f: {  	_ =	swait.ge [sflag:s21], $0x8000  }
0x110: {  	[sflag:s21] =	ssyncset.done $0x0  }
0x111: {  	[sflag:s21] =	ssyncadd.s32 $0xFFFF8000  }
0x112: {  	[hbm:s11], [sflag:s22] =	dma.local [spmem:s5], $0x8000  }
0x113: {  	_ =	swait.ge [sflag:s13], $0x8000  }
0x114: {  	[sflag:s13] =	ssyncset.done $0x0  }
0x115: {  	[sflag:s13] =	ssyncadd.s32 $0xFFFF8000  }
0x116: {  	[spmem:s5], [sflag:s23] =	dma.local [hbm:s6], $0x8000  }
0x117: {  	_ =	swait.ge [sflag:s19], $0x8000  }
0x118: {  	[sflag:s19] =	ssyncset.done $0x0  }
0x119: {  	[sflag:s19] =	ssyncadd.s32 $0xFFFF8000  }
0x11a: {  	[hbm:s4], [sflag:s20] =	dma.local [spmem:s25], $0x8000  }
0x11b: {  	_ =	swait.ge [sflag:s17], $0x8000  }
0x11c: {  	[sflag:s17] =	ssyncset.done $0x0  }
0x11d: {  	[sflag:s17] =	ssyncadd.s32 $0xFFFF8000  }
0x11e: {  	[hbm:s3], [sflag:s18] =	dma.local [spmem:s12], $0x8000  }
0x11f: {  	_ =	swait.ge [sflag:s15], $0x8000  }
0x120: {  	[sflag:s15] =	ssyncset.done $0x0  }
0x121: {  	[sflag:s15] =	ssyncadd.s32 $0xFFFF8000  }
0x122: {  	[hbm:s2], [sflag:s16] =	dma.local [spmem:s10], $0x8000  }
0x123: {  	_ =	swait.ge [sflag:s21], $0x8000  }
0x124: {  	[sflag:s21] =	ssyncset.done $0x0  }
0x125: {  	[sflag:s21] =	ssyncadd.s32 $0xFFFF8000  }
0x126: {  	[hbm:s1], [sflag:s22] =	dma.local [spmem:s5], $0x8000  }
0x127: {  	_ =	swait.ge [sflag:s7], $0x8000  }
0x128: {  	[sflag:s7] =	ssyncset.done $0x0  }
0x129: {  	[sflag:s7] =	ssyncadd.s32 $0xFFFF8000  }
0x12a: {  	_ =	swait.ge [sflag:s8], $0x8000  }
0x12b: {  	[sflag:s8] =	ssyncset.done $0x0  }
0x12c: {  	p2 =	sne.s32 s30, $0x1;
	[sflag:s8] =	ssyncadd.s32 $0xFFFF8000  }
.Ltmp3:
0x12d: {  	_ =	swait.ge [sflag:s9], $0x8000;
	(pc) =	sbr.rel @p2 .LBB2_3-.Ltmp3, $4  }
0x12e: {  	[sflag:s9] =	ssyncset.done $0x0  }
0x12f: {  	[sflag:s9] =	ssyncadd.s32 $0xFFFF8000  }
0x130: {  	_ =	swait.ge [sflag:s13], $0x8000  }
0x131: {  	s30 =	sadd.s32 $0xFFFFFFFF, s30;
	[sflag:s13] =	ssyncset.done $0x0  }
.LBB2_4:
0x132: {  	[sflag:s13] =	ssyncadd.s32 @p1 $0xFFFF8000  }
0x133: {  	[spmem:s25], [sflag:s28] =	dma.local [hbm:s29], $0x8000  }
0x134: {  	s29 =	rddreg [dreg:$0x4]  }
0x135: {  	[spmem:s12], [sflag:s26] =	dma.local [hbm:s29], $0x8000  }
0x136: {  	s29 =	rddreg [dreg:$0x5]  }
0x137: {  	[spmem:s10], [sflag:s24] =	dma.local [hbm:s29], $0x8000  }
0x138: {  	s29 =	rddreg [dreg:$0x6]  }
0x139: {  	[spmem:s5], [sflag:s23] =	dma.local [hbm:s29], $0x8000  }
0x13a: {  	_ =	swait.ge [sflag:s19], $0x8000  }
0x13b: {  	[sflag:s19] =	ssyncset.done $0x0  }
0x13c: {  	s30 =	rddreg [dreg:$0x7];
	[sflag:s19] =	ssyncadd.s32 $0xFFFF8000  }
0x13d: {  	[hbm:s30], [sflag:s20] =	dma.local [spmem:s25], $0x8000  }
0x13e: {  	_ =	swait.ge [sflag:s7], $0x8000  }
0x13f: {  	[sflag:s7] =	ssyncset.done $0x0  }
0x140: {  	s31 =	rddreg [dreg:$0x8];
	[sflag:s7] =	ssyncadd.s32 $0xFFFF8000  }
0x141: {  	[spmem:s25], [sflag:s28] =	dma.local [hbm:s31], $0x8000  }
0x142: {  	_ =	swait.ge [sflag:s17], $0x8000  }
0x143: {  	[sflag:s17] =	ssyncset.done $0x0  }
0x144: {  	s30 =	rddreg [dreg:$0x9];
	[sflag:s17] =	ssyncadd.s32 $0xFFFF8000  }
0x145: {  	[hbm:s30], [sflag:s18] =	dma.local [spmem:s12], $0x8000  }
0x146: {  	_ =	swait.ge [sflag:s8], $0x8000  }
0x147: {  	[sflag:s8] =	ssyncset.done $0x0  }
0x148: {  	s31 =	rddreg [dreg:$0xa];
	[sflag:s8] =	ssyncadd.s32 $0xFFFF8000  }
0x149: {  	[spmem:s12], [sflag:s26] =	dma.local [hbm:s31], $0x8000  }
0x14a: {  	_ =	swait.ge [sflag:s15], $0x8000  }
0x14b: {  	[sflag:s15] =	ssyncset.done $0x0  }
0x14c: {  	s30 =	rddreg [dreg:$0xb];
	[sflag:s15] =	ssyncadd.s32 $0xFFFF8000  }
0x14d: {  	[hbm:s30], [sflag:s16] =	dma.local [spmem:s10], $0x8000  }
0x14e: {  	_ =	swait.ge [sflag:s9], $0x8000  }
0x14f: {  	[sflag:s9] =	ssyncset.done $0x0  }
0x150: {  	s31 =	rddreg [dreg:$0xc];
	[sflag:s9] =	ssyncadd.s32 $0xFFFF8000  }
0x151: {  	[spmem:s10], [sflag:s24] =	dma.local [hbm:s31], $0x8000  }
0x152: {  	_ =	swait.ge [sflag:s21], $0x8000  }
0x153: {  	[sflag:s21] =	ssyncset.done $0x0  }
0x154: {  	s30 =	rddreg [dreg:$0xd];
	[sflag:s21] =	ssyncadd.s32 $0xFFFF8000  }
0x155: {  	[hbm:s30], [sflag:s22] =	dma.local [spmem:s5], $0x8000  }
0x156: {  	_ =	swait.ge [sflag:s13], $0x8000  }
0x157: {  	[sflag:s13] =	ssyncset.done $0x0  }
0x158: {  	s31 =	rddreg [dreg:$0xe];
	[sflag:s13] =	ssyncadd.s32 $0xFFFF8000  }
0x159: {  	[spmem:s5], [sflag:s23] =	dma.local [hbm:s31], $0x8000  }
0x15a: {  	_ =	swait.ge [sflag:s19], $0x8000  }
0x15b: {  	[sflag:s19] =	ssyncset.done $0x0  }
0x15c: {  	s30 =	rddreg [dreg:$0xf];
	[sflag:s19] =	ssyncadd.s32 $0xFFFF8000  }
0x15d: {  	[hbm:s30], [sflag:s20] =	dma.local [spmem:s25], $0x8000  }
0x15e: {  	_ =	swait.ge [sflag:s7], $0x8000  }
0x15f: {  	[sflag:s7] =	ssyncset.done $0x0  }
0x160: {  	s31 =	rddreg [dreg:$0x10];
	[sflag:s7] =	ssyncadd.s32 $0xFFFF8000  }
0x161: {  	[spmem:s25], [sflag:s28] =	dma.local [hbm:s31], $0x8000  }
0x162: {  	_ =	swait.ge [sflag:s17], $0x8000  }
0x163: {  	[sflag:s17] =	ssyncset.done $0x0  }
0x164: {  	s30 =	rddreg [dreg:$0x11];
	[sflag:s17] =	ssyncadd.s32 $0xFFFF8000  }
0x165: {  	[hbm:s30], [sflag:s18] =	dma.local [spmem:s12], $0x8000  }
0x166: {  	_ =	swait.ge [sflag:s8], $0x8000  }
0x167: {  	[sflag:s8] =	ssyncset.done $0x0  }
0x168: {  	s31 =	rddreg [dreg:$0x12];
	[sflag:s8] =	ssyncadd.s32 $0xFFFF8000  }
0x169: {  	[spmem:s12], [sflag:s26] =	dma.local [hbm:s31], $0x8000  }
0x16a: {  	_ =	swait.ge [sflag:s15], $0x8000  }
0x16b: {  	[sflag:s15] =	ssyncset.done $0x0  }
0x16c: {  	s30 =	rddreg [dreg:$0x13];
	[sflag:s15] =	ssyncadd.s32 $0xFFFF8000  }
0x16d: {  	[hbm:s30], [sflag:s16] =	dma.local [spmem:s10], $0x8000  }
0x16e: {  	_ =	swait.ge [sflag:s9], $0x8000  }
0x16f: {  	[sflag:s9] =	ssyncset.done $0x0  }
0x170: {  	s31 =	rddreg [dreg:$0x14];
	[sflag:s9] =	ssyncadd.s32 $0xFFFF8000  }
0x171: {  	[spmem:s10], [sflag:s24] =	dma.local [hbm:s31], $0x8000  }
0x172: {  	_ =	swait.ge [sflag:s21], $0x8000  }
0x173: {  	[sflag:s21] =	ssyncset.done $0x0  }
0x174: {  	s30 =	rddreg [dreg:$0x15];
	[sflag:s21] =	ssyncadd.s32 $0xFFFF8000  }
0x175: {  	[hbm:s30], [sflag:s22] =	dma.local [spmem:s5], $0x8000  }
0x176: {  	_ =	swait.ge [sflag:s13], $0x8000  }
0x177: {  	[sflag:s13] =	ssyncset.done $0x0  }
0x178: {  	s31 =	rddreg [dreg:$0x16];
	[sflag:s13] =	ssyncadd.s32 $0xFFFF8000  }
0x179: {  	[spmem:s5], [sflag:s23] =	dma.local [hbm:s31], $0x8000  }
0x17a: {  	_ =	swait.ge [sflag:s19], $0x8000  }
0x17b: {  	[sflag:s19] =	ssyncset.done $0x0  }
0x17c: {  	s30 =	rddreg [dreg:$0x17];
	[sflag:s19] =	ssyncadd.s32 $0xFFFF8000  }
0x17d: {  	[hbm:s30], [sflag:s20] =	dma.local [spmem:s25], $0x8000  }
0x17e: {  	_ =	swait.ge [sflag:s7], $0x8000  }
0x17f: {  	[sflag:s7] =	ssyncset.done $0x0  }
0x180: {  	s31 =	rddreg [dreg:$0x18];
	[sflag:s7] =	ssyncadd.s32 $0xFFFF8000  }
0x181: {  	[spmem:s25], [sflag:s28] =	dma.local [hbm:s31], $0x8000  }
0x182: {  	_ =	swait.ge [sflag:s17], $0x8000  }
0x183: {  	[sflag:s17] =	ssyncset.done $0x0  }
0x184: {  	s29 =	rddreg [dreg:$0x19];
	[sflag:s17] =	ssyncadd.s32 $0xFFFF8000  }
0x185: {  	[hbm:s29], [sflag:s18] =	dma.local [spmem:s12], $0x8000  }
0x186: {  	_ =	swait.ge [sflag:s8], $0x8000  }
0x187: {  	[sflag:s8] =	ssyncset.done $0x0  }
0x188: {  	s30 =	rddreg [dreg:$0x1a];
	[sflag:s8] =	ssyncadd.s32 $0xFFFF8000  }
0x189: {  	[spmem:s12], [sflag:s26] =	dma.local [hbm:s30], $0x8000  }
0x18a: {  	_ =	swait.ge [sflag:s15], $0x8000  }
0x18b: {  	[sflag:s15] =	ssyncset.done $0x0  }
0x18c: {  	s31 =	rddreg [dreg:$0x1b];
	[sflag:s15] =	ssyncadd.s32 $0xFFFF8000  }
0x18d: {  	[hbm:s31], [sflag:s16] =	dma.local [spmem:s10], $0x8000  }
0x18e: {  	_ =	swait.ge [sflag:s9], $0x8000  }
0x18f: {  	[sflag:s9] =	ssyncset.done $0x0  }
0x190: {  	[sflag:s9] =	ssyncadd.s32 $0xFFFF8000  }
0x191: {  	[spmem:s10], [sflag:s24] =	dma.local [hbm:s14], $0x8000  }
0x192: {  	_ =	swait.ge [sflag:s21], $0x8000  }
0x193: {  	[sflag:s21] =	ssyncset.done $0x0  }
0x194: {  	[sflag:s21] =	ssyncadd.s32 $0xFFFF8000  }
0x195: {  	[hbm:s11], [sflag:s22] =	dma.local [spmem:s5], $0x8000  }
0x196: {  	_ =	swait.ge [sflag:s13], $0x8000  }
0x197: {  	[sflag:s13] =	ssyncset.done $0x0  }
0x198: {  	[sflag:s13] =	ssyncadd.s32 $0xFFFF8000  }
0x199: {  	[spmem:s5], [sflag:s23] =	dma.local [hbm:s6], $0x8000  }
0x19a: {  	_ =	swait.ge [sflag:s19], $0x8000  }
0x19b: {  	[sflag:s19] =	ssyncset.done $0x0  }
0x19c: {  	[sflag:s19] =	ssyncadd.s32 $0xFFFF8000  }
0x19d: {  	[hbm:s4], [sflag:s20] =	dma.local [spmem:s25], $0x8000  }
0x19e: {  	_ =	swait.ge [sflag:s17], $0x8000  }
0x19f: {  	[sflag:s17] =	ssyncset.done $0x0  }
0x1a0: {  	[sflag:s17] =	ssyncadd.s32 $0xFFFF8000  }
0x1a1: {  	[hbm:s3], [sflag:s18] =	dma.local [spmem:s12], $0x8000  }
0x1a2: {  	_ =	swait.ge [sflag:s15], $0x8000  }
0x1a3: {  	[sflag:s15] =	ssyncset.done $0x0  }
0x1a4: {  	[sflag:s15] =	ssyncadd.s32 $0xFFFF8000  }
0x1a5: {  	[hbm:s2], [sflag:s16] =	dma.local [spmem:s10], $0x8000  }
0x1a6: {  	_ =	swait.ge [sflag:s21], $0x8000  }
0x1a7: {  	[sflag:s21] =	ssyncset.done $0x0  }
0x1a8: {  	[sflag:s21] =	ssyncadd.s32 $0xFFFF8000  }
0x1a9: {  	[hbm:s1], [sflag:s22] =	dma.local [spmem:s5], $0x8000  }
0x1aa: {  	_ =	swait.ge [sflag:s7], $0x8000  }
0x1ab: {  	[sflag:s7] =	ssyncset.done $0x0  }
0x1ac: {  	[sflag:s7] =	ssyncadd.s32 $0xFFFF8000  }
0x1ad: {  	_ =	swait.ge [sflag:s8], $0x8000  }
0x1ae: {  	[sflag:s8] =	ssyncset.done $0x0  }
0x1af: {  	[sflag:s8] =	ssyncadd.s32 $0xFFFF8000  }
0x1b0: {  	_ =	swait.ge [sflag:s9], $0x8000  }
0x1b1: {  	[sflag:s9] =	ssyncset.done $0x0  }
0x1b2: {  	[sflag:s9] =	ssyncadd.s32 $0xFFFF8000  }
0x1b3: {  	_ =	swait.ge [sflag:s13], $0x8000  }
0x1b4: {  	[sflag:s13] =	ssyncset.done $0x0  }
0x1b5: {  	[sflag:s13] =	ssyncadd.s32 $0xFFFF8000  }
.LBB2_5:
0x1b6: {  	_ =	sfence.sel $0x180000  }
0x1b7: {  	[bflag:$0x0] =	sbarrier.arrive $0xFFFF  }
0x1b8: {  	_ =	strace $0x90000047  }
0x1b9: {  	s0 =	sadd.s32 @!p0 $0x100000, s0;
	[bflag:$0x2] =	sbarrier.arrive $0xFFFF  }
0x1ba: {  	[sflag:s0] =	ssyncadd.tile.s32 @!p0 $0x1;
	_ =	shalt  }
.Lfunc_end2:
_tile_overlayer_lowered:
.L_overlay_start_2:
0x1bb: {  	(tag) =	ssettag $0x2  }
0x1bc: {  	s0 =	rddreg [dreg:$0x0];
	s2 =	stileid.u32  }
0x1bd: {  	s1 =	rddreg [dreg:$0x1];
	p0 =	sne.s32 s2, $0x0  }
0x1be: {  	s3 =	rddreg [dreg:$0x2];
	[bflag:$0x3] =	sbarrier.arrive $0xFFFF;
	s2 =	simm.s32 @!p0 $0x1C09  }
0x1bf: {  	[timem:s3], [sflag:s2] =	dma.local @!p0 [hbm:s0], s1  }
0x1c0: {  	s0 =	simm.s32 @!p0 $0x9  }
0x1c1: {  	_ =	swait.ge @!p0 [sflag:s0], s1  }
0x1c2: {  	s1 =	ssub.s32 @!p0 $0x0, s1;
	[sflag:s0] =	ssyncset.done @!p0 $0x0  }
0x1c3: {  	[sflag:s0] =	ssyncadd.s32 @!p0 s1  }
0x1c4: {  	[bflag:$0x3] =	sbarrier.arrive $0xFFFF  }
0x1c5: {  	_ =	shalt  }

</sc_bundles>
